<compile_context>
chip_gen: v7x
topology: tpu7x:2x2x1
jax: 0.10.2.dev20260603
libtpu: 0.0.44.dev20260713+nightly
codegen_flags: <defaults>
</compile_context>

<pallas_src>
import functools

import jax
import jax.numpy as jnp
from jax import lax
from jax.experimental import pallas as pl
from jax.experimental.pallas import tpu as pltpu
from jax.experimental.pallas import tpu_sc as plsc

B = 4096
D = 128
M = 100000
K = 32

BB = 256
MB = 2048
NB = B // BB
NT = 49
CPT = MB // 128
C = NT * CPT

NEG1 = -1e30
NEG2 = -2e30


def _nb_body(m_ref, nb_ref):
    mt = m_ref[...]
    nb_ref[...] = lax.rsqrt(jnp.sum(mt * mt, axis=1))[None, None]


def _k1_body(e_ref, m_ref, nb_ref, sim_ref, cm_ref):
    mj = pl.program_id(1)
    e = e_ref[...]
    mt = m_ref[...]
    inv_na = lax.rsqrt(jnp.sum(e * e, axis=1, keepdims=True))
    inv_nb = nb_ref[0, 0]
    prod = lax.dot_general(e, mt, (((1,), (1,)), ((), ())),
                           preferred_element_type=jnp.float32)
    sim = prod * inv_na * inv_nb[None, :]

    @pl.when(mj < NT - 1)
    def _full():
        sim3 = sim.reshape(BB, CPT, 128)
        sim_ref[...] = sim3[None, None]
        cm_ref[...] = jnp.max(sim3, axis=2)[None, None]

    @pl.when(mj == NT - 1)
    def _masked():
        gcol = mj * MB + lax.broadcasted_iota(jnp.int32, (BB, MB), 1)
        simm = jnp.where(gcol < M, sim, NEG1)
        sim3 = simm.reshape(BB, CPT, 128)
        sim_ref[...] = sim3[None, None]
        cm_ref[...] = jnp.max(sim3, axis=2)[None, None]


def _k2_body(cm_ref, sidx_ref, cid_ref, cm_scr):
    bi = pl.program_id(0)
    cm_scr[...] = cm_ref[0]
    iota = lax.broadcasted_iota(jnp.int32, (BB, C), 1)
    lanek = lax.broadcasted_iota(jnp.int32, (BB, K), 1)

    def body(k, cid_acc):
        cm = cm_scr[...]
        m = jnp.max(cm, axis=1, keepdims=True)
        sel = cm == m
        pos = jnp.min(jnp.where(sel, iota, jnp.int32(1 << 20)),
                      axis=1, keepdims=True)
        cm_scr[...] = jnp.where(iota == pos, NEG2, cm)
        return jnp.where(lanek == k, pos, cid_acc)

    cid = lax.fori_loop(0, K, body, jnp.zeros((BB, K), jnp.int32))
    brow = lax.broadcasted_iota(jnp.int32, (BB, K), 0)
    sidx = (bi * (NT * BB * CPT) + (cid >> 4) * (BB * CPT)
            + brow * CPT + (cid & 15))
    sidx_ref[...] = sidx[None]
    cid_ref[...] = cid[None]


def _k4_body(cand_ref, cid_ref, gidx_ref, w_ref, cand_scr, gmap_scr):
    cand = cand_ref[0]
    cid = cid_ref[0]
    gmap = (cid[:, :, None] * 128
            + lax.broadcasted_iota(jnp.int32, (BB, K, 128), 2))
    cand_scr[...] = cand.reshape(BB, K * 128)
    gmap_scr[...] = gmap.reshape(BB, K * 128)
    lanek = lax.broadcasted_iota(jnp.int32, (BB, K), 1)

    def body(k, acc):
        v_acc, g_acc = acc
        cv = cand_scr[...]
        gm = gmap_scr[...]
        m = jnp.max(cv, axis=1, keepdims=True)
        sel = cv == m
        gi = jnp.min(jnp.where(sel, gm, jnp.int32(1 << 30)),
                     axis=1, keepdims=True)
        cand_scr[...] = jnp.where(sel & (gm == gi), NEG2, cv)
        v_acc = jnp.where(lanek == k, m, v_acc)
        g_acc = jnp.where(lanek == k, gi, g_acc)
        return (v_acc, g_acc)

    v, gidx = lax.fori_loop(
        0, K, body,
        (jnp.zeros((BB, K), jnp.float32), jnp.zeros((BB, K), jnp.int32)))
    r = jnp.maximum(v, 0.0)
    ex = jnp.exp(r - jnp.max(r, axis=1, keepdims=True))
    w = ex / jnp.sum(ex, axis=1, keepdims=True)
    gidx_ref[...] = gidx[None]
    w_ref[...] = w[None]


def _k6_body(g_ref, w_ref, o_ref):
    g = g_ref[0]
    w = w_ref[0]
    acc = g[:, 0, :] * w[:, 0][:, None]
    for k in range(1, K):
        acc = acc + g[:, k, :] * w[:, k][:, None]
    o_ref[...] = acc


def _sc_gather_rows(table, idx):
    n = idx.shape[0]
    per_w = n // 32
    steps = per_w // 128
    mesh = plsc.VectorSubcoreMesh(core_axis_name="c", subcore_axis_name="s")

    @functools.partial(
        pl.kernel,
        out_type=jax.ShapeDtypeStruct((n, 128), jnp.float32),
        mesh=mesh,
        scratch_types=[
            pltpu.VMEM((128,), jnp.int32),
            pltpu.VMEM((128, 128), jnp.float32),
            pltpu.SemaphoreType.DMA,
        ],
    )
    def gather(table_hbm, idx_hbm, out_hbm, idx_v, rows_v, sem):
        wid = lax.axis_index("s") * 2 + lax.axis_index("c")
        base0 = pl.multiple_of(wid * per_w, 128)

        def body(j, carry):
            base = pl.multiple_of(base0 + j * 128, 128)
            pltpu.sync_copy(idx_hbm.at[pl.ds(base, 128)], idx_v)
            pltpu.async_copy(table_hbm.at[idx_v], rows_v, sem).wait()
            pltpu.sync_copy(rows_v, out_hbm.at[pl.ds(base, 128)])
            return carry

        lax.fori_loop(0, steps, body, 0)

    return gather(table, idx)


def kernel(encoder_outs, mem_matrix):
    f32 = jnp.float32
    inv_nb = pl.pallas_call(
        _nb_body,
        grid=(NT,),
        in_specs=[pl.BlockSpec((MB, D), lambda mj: (mj, 0))],
        out_specs=pl.BlockSpec((1, 1, MB), lambda mj: (mj, 0, 0)),
        out_shape=jax.ShapeDtypeStruct((NT, 1, MB), f32),
    )(mem_matrix)

    sim, cm = pl.pallas_call(
        _k1_body,
        grid=(NB, NT),
        in_specs=[
            pl.BlockSpec((BB, D), lambda bi, mj: (bi, 0)),
            pl.BlockSpec((MB, D), lambda bi, mj: (mj, 0)),
            pl.BlockSpec((1, 1, MB), lambda bi, mj: (mj, 0, 0)),
        ],
        out_specs=[
            pl.BlockSpec((1, 1, BB, CPT, 128), lambda bi, mj: (bi, mj, 0, 0, 0)),
            pl.BlockSpec((1, 1, BB, CPT), lambda bi, mj: (bi, mj, 0, 0)),
        ],
        out_shape=[
            jax.ShapeDtypeStruct((NB, NT, BB, CPT, 128), f32),
            jax.ShapeDtypeStruct((NB, NT, BB, CPT), f32),
        ],
        compiler_params=pltpu.CompilerParams(
            dimension_semantics=("arbitrary", "arbitrary")),
    )(encoder_outs, mem_matrix, inv_nb)

    cmt = cm.transpose(0, 2, 1, 3).reshape(NB, BB, C)

    sidx, cid = pl.pallas_call(
        _k2_body,
        grid=(NB,),
        in_specs=[pl.BlockSpec((1, BB, C), lambda bi: (bi, 0, 0))],
        out_specs=[
            pl.BlockSpec((1, BB, K), lambda bi: (bi, 0, 0)),
            pl.BlockSpec((1, BB, K), lambda bi: (bi, 0, 0)),
        ],
        out_shape=[
            jax.ShapeDtypeStruct((NB, BB, K), jnp.int32),
            jax.ShapeDtypeStruct((NB, BB, K), jnp.int32),
        ],
        scratch_shapes=[pltpu.VMEM((BB, C), jnp.float32)],
    )(cmt)

    sim_flat = sim.reshape(NB * NT * BB * CPT, 128)
    cand_flat = _sc_gather_rows(sim_flat, sidx.reshape(-1))
    cand = cand_flat.reshape(NB, BB, K, 128)

    gidx, w = pl.pallas_call(
        _k4_body,
        grid=(NB,),
        in_specs=[
            pl.BlockSpec((1, BB, K, 128), lambda bi: (bi, 0, 0, 0)),
            pl.BlockSpec((1, BB, K), lambda bi: (bi, 0, 0)),
        ],
        out_specs=[
            pl.BlockSpec((1, BB, K), lambda bi: (bi, 0, 0)),
            pl.BlockSpec((1, BB, K), lambda bi: (bi, 0, 0)),
        ],
        out_shape=[
            jax.ShapeDtypeStruct((NB, BB, K), jnp.int32),
            jax.ShapeDtypeStruct((NB, BB, K), f32),
        ],
        scratch_shapes=[
            pltpu.VMEM((BB, K * 128), jnp.float32),
            pltpu.VMEM((BB, K * 128), jnp.int32),
        ],
    )(cand, cid)

    g_flat = _sc_gather_rows(mem_matrix, gidx.reshape(-1))
    g = g_flat.reshape(NB, BB, K, 128)

    out = pl.pallas_call(
        _k6_body,
        grid=(NB,),
        in_specs=[
            pl.BlockSpec((1, BB, K, 128), lambda bi: (bi, 0, 0, 0)),
            pl.BlockSpec((1, BB, K), lambda bi: (bi, 0, 0)),
        ],
        out_specs=pl.BlockSpec((BB, D), lambda bi: (bi, 0)),
        out_shape=jax.ShapeDtypeStruct((B, D), f32),
    )(g, w)
    return out

# --- scband reference (transcript-rebuilt; emitter-appended) ---
"""Pipeline reference for scband-basic-unit-54348516164066 (READ-ONLY COPY).

The authoritative reference and input builder live on the scoring server;
editing this copy changes nothing except your own understanding.
"""

import jax, jax.numpy as jnp
import numpy as np

MEM_SIZE = 100000
MEM_DIM = 128
K = 32
BATCH = 4096


def setup_inputs(seed: int = 0) -> dict:
    key = jax.random.key(seed)
    k1, k2 = jax.random.split(key)
    encoder_outs = jax.random.normal(k1, (BATCH, MEM_DIM), dtype=jnp.float32)
    stdv = 1.0 / np.sqrt(MEM_DIM)
    mem_matrix = jax.random.uniform(k2, (MEM_SIZE, MEM_DIM), minval=-stdv, maxval=stdv, dtype=jnp.float32)
    return {"encoder_outs": encoder_outs, "mem_matrix": mem_matrix}


def reference(encoder_outs, mem_matrix):
    # calculate_sim_matrix: cosine similarity via linear + norm outer product
    abcostheta = encoder_outs @ mem_matrix.T                      # [B, M]
    na = jnp.linalg.norm(encoder_outs, ord=2, axis=1, keepdims=True)  # [B, 1]
    nb = jnp.linalg.norm(mem_matrix, ord=2, axis=1, keepdims=True)    # [M, 1]
    norm = na @ nb.T                                              # [B, M]
    sim_matrix = abcostheta * (1.0 / norm)
    # training-mode forget mask: nu=0.0 -> int(mem_size*0.0)=0 slots masked (no-op)
    S, I = jax.lax.top_k(sim_matrix, K)                           # [B, K]
    sparse_weights = jax.nn.softmax(jax.nn.relu(S), axis=1)       # [B, K]
    gathered = mem_matrix[I]                                      # [B, K, D] gather
    return jnp.einsum('abc,ab->ac', gathered, sparse_weights)     # [B, D]

if __name__ == "__main__":
    import jax
    _d = setup_inputs()
    print(jax.jit(kernel)(*tuple(_d.values())))

</pallas_src>

<mosaic_0001>
#map = affine_map<(d0, d1) -> (0, 0)>
#map1 = affine_map<(d0, d1) -> (0)>
module attributes {stable_mosaic.version = 14 : i64} {
  func.func @gather(%arg0: i32, %arg1: i32, %arg2: memref<3211264x128xf32, #tpu.memory_space<hbm>>, %arg3: memref<131072xi32, #tpu.memory_space<hbm>>, %arg4: memref<131072x128xf32, #tpu.memory_space<hbm>>, %arg5: memref<128xi32, #tpu.memory_space<vmem>>, %arg6: memref<128x128xf32, #tpu.memory_space<vmem>>, %arg7: memref<!tpu.dma_semaphore, #tpu.memory_space<semaphore_mem>>) attributes {dimension_semantics = [#tpu.dimension_semantics<core_parallel>, #tpu.dimension_semantics<subcore_parallel>], iteration_bounds = array<i64: 2, 16>, scalar_prefetch = 0 : i64, scratch_operands = 3 : i64, tpu.core_type = #tpu.core_type<sc_vector_subcore>, window_params = [{transform_indices = #map}, {transform_indices = #map1}, {transform_indices = #map}]} {
    %mul3A = arith.constant 2 : i32
    %mul3A_0 = arith.muli %arg1, %mul3A : i32
    %add3A = arith.addi %mul3A_0, %arg0 : i32
    %mul3A_1 = arith.constant 4096 : i32
    %mul3A_2 = arith.muli %add3A, %mul3A_1 : i32
    %multiple_of3A = tpu.assume_multiple %mul3A_2, 128 : i32
    %scan3A = arith.constant 0 : i32
    %scan3A_3 = arith.constant 0 : i32
    %scan3A_4 = arith.constant 32 : i32
    %scan3A_5 = arith.addi %scan3A_3, %scan3A_4 : i32
    %scan3A_6 = arith.constant 1 : i32
    scf.for %scan3A_8 = %scan3A_3 to %scan3A_5 step %scan3A_6  : i32 {
      %mul3A_9 = arith.constant 128 : i32
      %mul3A_10 = arith.muli %scan3A_8, %mul3A_9 : i32
      %add3A_11 = arith.addi %multiple_of3A, %mul3A_10 : i32
      %multiple_of3A_12 = tpu.assume_multiple %add3A_11, 128 : i32
      "tpu.region"() ({
        %run_scoped3A = tpu.sem_alloc : memref<!tpu.dma_semaphore, #tpu.memory_space<semaphore_mem>>
        %dma_start3A_17 = tpu.memref_slice %arg3[%multiple_of3A_12] : memref<131072xi32, #tpu.memory_space<hbm>> -> memref<128xi32, #tpu.memory_space<hbm>>
        %dma_start3A_18 = tpu.memref_slice %arg3[%multiple_of3A_12] : memref<131072xi32, #tpu.memory_space<hbm>> -> memref<128xi32, #tpu.memory_space<hbm>>
        tpu.enqueue_dma source(%dma_start3A_18 : memref<128xi32, #tpu.memory_space<hbm>>) target(%arg5 : memref<128xi32, #tpu.memory_space<vmem>>) target_semaphore(%run_scoped3A : memref<!tpu.dma_semaphore, #tpu.memory_space<semaphore_mem>>)
        %dma_wait3A_19 = tpu.memref_slice %arg3[%multiple_of3A_12] : memref<131072xi32, #tpu.memory_space<hbm>> -> memref<128xi32, #tpu.memory_space<hbm>>
        %dma_wait3A_20 = tpu.memref_slice %arg3[%multiple_of3A_12] : memref<131072xi32, #tpu.memory_space<hbm>> -> memref<128xi32, #tpu.memory_space<hbm>>
        tpu.wait_dma2 semaphore(%run_scoped3A : memref<!tpu.dma_semaphore, #tpu.memory_space<semaphore_mem>>) src(%dma_wait3A_20 : memref<128xi32, #tpu.memory_space<hbm>>) dst(%arg5 : memref<128xi32, #tpu.memory_space<vmem>>)
        tpu.yield
      }) : () -> ()
      %dma_start3A = arith.constant 0 : i32
      %dma_start3A_13 = arith.constant 0 : i32
      %dma_start3A_14 = tpu.memref_slice %arg2[%dma_start3A, %dma_start3A_13] : memref<3211264x128xf32, #tpu.memory_space<hbm>> -> memref<3211264x128xf32, #tpu.memory_space<hbm>>
      tpu.enqueue_indirect_dma source(%dma_start3A_14 : memref<3211264x128xf32, #tpu.memory_space<hbm>>) target(%arg6 : memref<128x128xf32, #tpu.memory_space<vmem>>) offsets(%arg5 : memref<128xi32, #tpu.memory_space<vmem>>) semaphore(%arg7 : memref<!tpu.dma_semaphore, #tpu.memory_space<semaphore_mem>>)
      %dma_wait3A = arith.constant 0 : i32
      %dma_wait3A_15 = arith.constant 0 : i32
      %dma_wait3A_16 = tpu.memref_slice %arg2[%dma_wait3A, %dma_wait3A_15] : memref<3211264x128xf32, #tpu.memory_space<hbm>> -> memref<3211264x128xf32, #tpu.memory_space<hbm>>
      tpu.wait_indirect_dma semaphore(%arg7 : memref<!tpu.dma_semaphore, #tpu.memory_space<semaphore_mem>>) src(%dma_wait3A_16 : memref<3211264x128xf32, #tpu.memory_space<hbm>>) dst(%arg6 : memref<128x128xf32, #tpu.memory_space<vmem>>)
      "tpu.region"() ({
        %run_scoped3A = tpu.sem_alloc : memref<!tpu.dma_semaphore, #tpu.memory_space<semaphore_mem>>
        %dma_start3A_17 = arith.constant 0 : i32
        %dma_start3A_18 = tpu.memref_slice %arg4[%multiple_of3A_12, %dma_start3A_17] : memref<131072x128xf32, #tpu.memory_space<hbm>> -> memref<128x128xf32, #tpu.memory_space<hbm>>
        %dma_start3A_19 = arith.constant 0 : i32
        %dma_start3A_20 = tpu.memref_slice %arg4[%multiple_of3A_12, %dma_start3A_19] : memref<131072x128xf32, #tpu.memory_space<hbm>> -> memref<128x128xf32, #tpu.memory_space<hbm>>
        tpu.enqueue_dma source(%arg6 : memref<128x128xf32, #tpu.memory_space<vmem>>) target(%dma_start3A_20 : memref<128x128xf32, #tpu.memory_space<hbm>>) target_semaphore(%run_scoped3A : memref<!tpu.dma_semaphore, #tpu.memory_space<semaphore_mem>>)
        %dma_wait3A_21 = arith.constant 0 : i32
        %dma_wait3A_22 = tpu.memref_slice %arg4[%multiple_of3A_12, %dma_wait3A_21] : memref<131072x128xf32, #tpu.memory_space<hbm>> -> memref<128x128xf32, #tpu.memory_space<hbm>>
        %dma_wait3A_23 = arith.constant 0 : i32
        %dma_wait3A_24 = tpu.memref_slice %arg4[%multiple_of3A_12, %dma_wait3A_23] : memref<131072x128xf32, #tpu.memory_space<hbm>> -> memref<128x128xf32, #tpu.memory_space<hbm>>
        tpu.wait_dma2 semaphore(%run_scoped3A : memref<!tpu.dma_semaphore, #tpu.memory_space<semaphore_mem>>) src(%arg6 : memref<128x128xf32, #tpu.memory_space<vmem>>) dst(%dma_wait3A_24 : memref<128x128xf32, #tpu.memory_space<hbm>>)
        tpu.yield
      }) : () -> ()
    }
    %scan3A_7 = arith.constant 32 : i32
    return
  }
}

#map = affine_map<(d0, d1) -> (0, 0)>
#map1 = affine_map<(d0, d1) -> (0)>
module attributes {stable_mosaic.version = 14 : i64} {
  func.func @gather(%arg0: i32, %arg1: i32, %arg2: memref<100000x128xf32, #tpu.memory_space<hbm>>, %arg3: memref<131072xi32, #tpu.memory_space<hbm>>, %arg4: memref<131072x128xf32, #tpu.memory_space<hbm>>, %arg5: memref<128xi32, #tpu.memory_space<vmem>>, %arg6: memref<128x128xf32, #tpu.memory_space<vmem>>, %arg7: memref<!tpu.dma_semaphore, #tpu.memory_space<semaphore_mem>>) attributes {dimension_semantics = [#tpu.dimension_semantics<core_parallel>, #tpu.dimension_semantics<subcore_parallel>], iteration_bounds = array<i64: 2, 16>, scalar_prefetch = 0 : i64, scratch_operands = 3 : i64, tpu.core_type = #tpu.core_type<sc_vector_subcore>, window_params = [{transform_indices = #map}, {transform_indices = #map1}, {transform_indices = #map}]} {
    %mul3A = arith.constant 2 : i32
    %mul3A_0 = arith.muli %arg1, %mul3A : i32
    %add3A = arith.addi %mul3A_0, %arg0 : i32
    %mul3A_1 = arith.constant 4096 : i32
    %mul3A_2 = arith.muli %add3A, %mul3A_1 : i32
    %multiple_of3A = tpu.assume_multiple %mul3A_2, 128 : i32
    %scan3A = arith.constant 0 : i32
    %scan3A_3 = arith.constant 0 : i32
    %scan3A_4 = arith.constant 32 : i32
    %scan3A_5 = arith.addi %scan3A_3, %scan3A_4 : i32
    %scan3A_6 = arith.constant 1 : i32
    scf.for %scan3A_8 = %scan3A_3 to %scan3A_5 step %scan3A_6  : i32 {
      %mul3A_9 = arith.constant 128 : i32
      %mul3A_10 = arith.muli %scan3A_8, %mul3A_9 : i32
      %add3A_11 = arith.addi %multiple_of3A, %mul3A_10 : i32
      %multiple_of3A_12 = tpu.assume_multiple %add3A_11, 128 : i32
      "tpu.region"() ({
        %run_scoped3A = tpu.sem_alloc : memref<!tpu.dma_semaphore, #tpu.memory_space<semaphore_mem>>
        %dma_start3A_17 = tpu.memref_slice %arg3[%multiple_of3A_12] : memref<131072xi32, #tpu.memory_space<hbm>> -> memref<128xi32, #tpu.memory_space<hbm>>
        %dma_start3A_18 = tpu.memref_slice %arg3[%multiple_of3A_12] : memref<131072xi32, #tpu.memory_space<hbm>> -> memref<128xi32, #tpu.memory_space<hbm>>
        tpu.enqueue_dma source(%dma_start3A_18 : memref<128xi32, #tpu.memory_space<hbm>>) target(%arg5 : memref<128xi32, #tpu.memory_space<vmem>>) target_semaphore(%run_scoped3A : memref<!tpu.dma_semaphore, #tpu.memory_space<semaphore_mem>>)
        %dma_wait3A_19 = tpu.memref_slice %arg3[%multiple_of3A_12] : memref<131072xi32, #tpu.memory_space<hbm>> -> memref<128xi32, #tpu.memory_space<hbm>>
        %dma_wait3A_20 = tpu.memref_slice %arg3[%multiple_of3A_12] : memref<131072xi32, #tpu.memory_space<hbm>> -> memref<128xi32, #tpu.memory_space<hbm>>
        tpu.wait_dma2 semaphore(%run_scoped3A : memref<!tpu.dma_semaphore, #tpu.memory_space<semaphore_mem>>) src(%dma_wait3A_20 : memref<128xi32, #tpu.memory_space<hbm>>) dst(%arg5 : memref<128xi32, #tpu.memory_space<vmem>>)
        tpu.yield
      }) : () -> ()
      %dma_start3A = arith.constant 0 : i32
      %dma_start3A_13 = arith.constant 0 : i32
      %dma_start3A_14 = tpu.memref_slice %arg2[%dma_start3A, %dma_start3A_13] : memref<100000x128xf32, #tpu.memory_space<hbm>> -> memref<100000x128xf32, #tpu.memory_space<hbm>>
      tpu.enqueue_indirect_dma source(%dma_start3A_14 : memref<100000x128xf32, #tpu.memory_space<hbm>>) target(%arg6 : memref<128x128xf32, #tpu.memory_space<vmem>>) offsets(%arg5 : memref<128xi32, #tpu.memory_space<vmem>>) semaphore(%arg7 : memref<!tpu.dma_semaphore, #tpu.memory_space<semaphore_mem>>)
      %dma_wait3A = arith.constant 0 : i32
      %dma_wait3A_15 = arith.constant 0 : i32
      %dma_wait3A_16 = tpu.memref_slice %arg2[%dma_wait3A, %dma_wait3A_15] : memref<100000x128xf32, #tpu.memory_space<hbm>> -> memref<100000x128xf32, #tpu.memory_space<hbm>>
      tpu.wait_indirect_dma semaphore(%arg7 : memref<!tpu.dma_semaphore, #tpu.memory_space<semaphore_mem>>) src(%dma_wait3A_16 : memref<100000x128xf32, #tpu.memory_space<hbm>>) dst(%arg6 : memref<128x128xf32, #tpu.memory_space<vmem>>)
      "tpu.region"() ({
        %run_scoped3A = tpu.sem_alloc : memref<!tpu.dma_semaphore, #tpu.memory_space<semaphore_mem>>
        %dma_start3A_17 = arith.constant 0 : i32
        %dma_start3A_18 = tpu.memref_slice %arg4[%multiple_of3A_12, %dma_start3A_17] : memref<131072x128xf32, #tpu.memory_space<hbm>> -> memref<128x128xf32, #tpu.memory_space<hbm>>
        %dma_start3A_19 = arith.constant 0 : i32
        %dma_start3A_20 = tpu.memref_slice %arg4[%multiple_of3A_12, %dma_start3A_19] : memref<131072x128xf32, #tpu.memory_space<hbm>> -> memref<128x128xf32, #tpu.memory_space<hbm>>
        tpu.enqueue_dma source(%arg6 : memref<128x128xf32, #tpu.memory_space<vmem>>) target(%dma_start3A_20 : memref<128x128xf32, #tpu.memory_space<hbm>>) target_semaphore(%run_scoped3A : memref<!tpu.dma_semaphore, #tpu.memory_space<semaphore_mem>>)
        %dma_wait3A_21 = arith.constant 0 : i32
        %dma_wait3A_22 = tpu.memref_slice %arg4[%multiple_of3A_12, %dma_wait3A_21] : memref<131072x128xf32, #tpu.memory_space<hbm>> -> memref<128x128xf32, #tpu.memory_space<hbm>>
        %dma_wait3A_23 = arith.constant 0 : i32
        %dma_wait3A_24 = tpu.memref_slice %arg4[%multiple_of3A_12, %dma_wait3A_23] : memref<131072x128xf32, #tpu.memory_space<hbm>> -> memref<128x128xf32, #tpu.memory_space<hbm>>
        tpu.wait_dma2 semaphore(%run_scoped3A : memref<!tpu.dma_semaphore, #tpu.memory_space<semaphore_mem>>) src(%arg6 : memref<128x128xf32, #tpu.memory_space<vmem>>) dst(%dma_wait3A_24 : memref<128x128xf32, #tpu.memory_space<hbm>>)
        tpu.yield
      }) : () -> ()
    }
    %scan3A_7 = arith.constant 32 : i32
    return
  }
}

module attributes {stable_mosaic.version = 14 : i64} {
  func.func @_k1_body(%arg0: i32, %arg1: i32, %arg2: memref<256x128xf32, #tpu.memory_space<vmem>>, %arg3: memref<2048x128xf32, #tpu.memory_space<vmem>>, %arg4: memref<1x1x2048xf32, #tpu.memory_space<vmem>>, %arg5: memref<1x1x256x16x128xf32, #tpu.memory_space<vmem>>, %arg6: memref<1x1x256x16xf32, #tpu.memory_space<vmem>>) attributes {dimension_semantics = [#tpu.dimension_semantics<arbitrary>, #tpu.dimension_semantics<arbitrary>], iteration_bounds = array<i64: 16, 49>, scalar_prefetch = 0 : i64, scratch_operands = 0 : i64, tpu.core_type = #tpu.core_type<tc>, window_params = [{transform_indices = @transform_0, window_bounds = array<i64: 256, 128>}, {transform_indices = @transform_1, window_bounds = array<i64: 2048, 128>}, {transform_indices = @transform_2, window_bounds = array<i64: 1, 1, 2048>}, {transform_indices = @transform_3, window_bounds = array<i64: 1, 1, 256, 16, 128>}, {transform_indices = @transform_4, window_bounds = array<i64: 1, 1, 256, 16>}]} {
    %get3A = arith.constant 0 : index
    %get3A_0 = arith.constant 0 : index
    %get3A_1 = vector.load %arg2[%get3A, %get3A_0] : memref<256x128xf32, #tpu.memory_space<vmem>>, vector<256x128xf32>
    %get3A_2 = arith.constant 0 : index
    %get3A_3 = arith.constant 0 : index
    %get3A_4 = vector.load %arg3[%get3A_2, %get3A_3] : memref<2048x128xf32, #tpu.memory_space<vmem>>, vector<2048x128xf32>
    %mul3A = arith.mulf %get3A_1, %get3A_1 : vector<256x128xf32>
    %reduce_sum3A = arith.constant dense<0.000000e+00> : vector<256xf32>
    %reduce_sum3A_5 = vector.multi_reduction <add>, %mul3A, %reduce_sum3A [1] : vector<256x128xf32> to vector<256xf32>
    %broadcast_in_dim3A = vector.shape_cast %reduce_sum3A_5 : vector<256xf32> to vector<256x1xf32>
    %rsqrt3A = math.rsqrt %broadcast_in_dim3A : vector<256x1xf32>
    %get3A_6 = arith.constant 0 : index
    %get3A_7 = arith.constant 0 : index
    %get3A_8 = arith.constant 0 : index
    %get3A_9 = vector.load %arg4[%get3A_6, %get3A_7, %get3A_8] : memref<1x1x2048xf32, #tpu.memory_space<vmem>>, vector<1x1x2048xf32>
    %get3A_10 = vector.shape_cast %get3A_9 : vector<1x1x2048xf32> to vector<2048xf32>
    %dot_general3A = arith.constant dense<0.000000e+00> : vector<256x2048xf32>
    %dot_general3A_11 = tpu.matmul %get3A_1, %get3A_4, %dot_general3A {dimension_numbers = #tpu.dot_dimension_numbers<[1], [1], [0], [0], [0, 0, 1, 0], [], []>, transpose_lhs_hint = false} : vector<256x128xf32>, vector<2048x128xf32>, vector<256x2048xf32> -> vector<256x2048xf32>
    %mul3A_12 = vector.broadcast %rsqrt3A : vector<256x1xf32> to vector<256x2048xf32>
    %mul3A_13 = arith.mulf %dot_general3A_11, %mul3A_12 : vector<256x2048xf32>
    %broadcast_in_dim3A_14 = vector.shape_cast %get3A_10 : vector<2048xf32> to vector<1x2048xf32>
    %mul3A_15 = vector.broadcast %broadcast_in_dim3A_14 : vector<1x2048xf32> to vector<256x2048xf32>
    %mul3A_16 = arith.mulf %mul3A_13, %mul3A_15 : vector<256x2048xf32>
    %lt3A = arith.constant 48 : i32
    %lt3A_17 = arith.cmpi slt, %arg1, %lt3A : i32
    %convert_element_type3A = arith.extui %lt3A_17 : i1 to i32
    %cond3A = arith.constant 0 : i32
    %cond3A_18 = arith.cmpi ne, %convert_element_type3A, %cond3A : i32
    scf.if %cond3A_18 {
      %reshape3A = vector.shape_cast %mul3A_16 : vector<256x2048xf32> to vector<256x16x128xf32>
      %broadcast_in_dim3A_23 = vector.shape_cast %reshape3A : vector<256x16x128xf32> to vector<1x1x256x16x128xf32>
      %swap3A = arith.constant 0 : index
      %swap3A_24 = arith.constant 0 : index
      %swap3A_25 = arith.constant 0 : index
      %swap3A_26 = arith.constant 0 : index
      %swap3A_27 = arith.constant 0 : index
      %swap3A_28 = vector.load %arg5[%swap3A, %swap3A_24, %swap3A_25, %swap3A_26, %swap3A_27] : memref<1x1x256x16x128xf32, #tpu.memory_space<vmem>>, vector<1x1x256x16x128xf32>
      tpu.vector_store %arg5[%swap3A, %swap3A_24, %swap3A_25, %swap3A_26, %swap3A_27], %broadcast_in_dim3A_23 {strides = array<i32>} : memref<1x1x256x16x128xf32, #tpu.memory_space<vmem>>, vector<1x1x256x16x128xf32>,
      %reduce_max3A = arith.constant dense<0xFF800000> : vector<256x16xf32>
      %reduce_max3A_29 = vector.multi_reduction <maximumf>, %reshape3A, %reduce_max3A [2] : vector<256x16x128xf32> to vector<256x16xf32>
      %broadcast_in_dim3A_30 = vector.shape_cast %reduce_max3A_29 : vector<256x16xf32> to vector<1x1x256x16xf32>
      %swap3A_31 = arith.constant 0 : index
      %swap3A_32 = arith.constant 0 : index
      %swap3A_33 = arith.constant 0 : index
      %swap3A_34 = arith.constant 0 : index
      %swap3A_35 = vector.load %arg6[%swap3A_31, %swap3A_32, %swap3A_33, %swap3A_34] : memref<1x1x256x16xf32, #tpu.memory_space<vmem>>, vector<1x1x256x16xf32>
      tpu.vector_store %arg6[%swap3A_31, %swap3A_32, %swap3A_33, %swap3A_34], %broadcast_in_dim3A_30 {strides = array<i32>} : memref<1x1x256x16xf32, #tpu.memory_space<vmem>>, vector<1x1x256x16xf32>,
    } else {
    }
    %eq3A = arith.constant 48 : i32
    %eq3A_19 = arith.cmpi eq, %arg1, %eq3A : i32
    %convert_element_type3A_20 = arith.extui %eq3A_19 : i1 to i32
    %cond3A_21 = arith.constant 0 : i32
    %cond3A_22 = arith.cmpi ne, %convert_element_type3A_20, %cond3A_21 : i32
    scf.if %cond3A_22 {
      %mul3A_23 = arith.constant 2048 : i32
      %mul3A_24 = arith.muli %arg1, %mul3A_23 : i32
      %iota3A = tpu.iota {dimensions = array<i32: 1>} : vector<256x2048xi32>
      %add3A = vector.broadcast %mul3A_24 : i32 to vector<256x2048xi32>
      %add3A_25 = arith.addi %add3A, %iota3A : vector<256x2048xi32>
      %lt3A_26 = arith.constant 100000 : i32
      %lt3A_27 = vector.broadcast %lt3A_26 : i32 to vector<256x2048xi32>
      %lt3A_28 = arith.cmpi slt, %add3A_25, %lt3A_27 : vector<256x2048xi32>
      %jit3A = arith.constant -1.000000e+30 : f32
      %broadcast_in_dim3A_29 = vector.broadcast %jit3A : f32 to vector<256x2048xf32>
      %select_n3A = arith.select %lt3A_28, %mul3A_16, %broadcast_in_dim3A_29 : vector<256x2048xi1>, vector<256x2048xf32>
      %reshape3A = vector.shape_cast %select_n3A : vector<256x2048xf32> to vector<256x16x128xf32>
      %broadcast_in_dim3A_30 = vector.shape_cast %reshape3A : vector<256x16x128xf32> to vector<1x1x256x16x128xf32>
      %swap3A = arith.constant 0 : index
      %swap3A_31 = arith.constant 0 : index
      %swap3A_32 = arith.constant 0 : index
      %swap3A_33 = arith.constant 0 : index
      %swap3A_34 = arith.constant 0 : index
      %swap3A_35 = vector.load %arg5[%swap3A, %swap3A_31, %swap3A_32, %swap3A_33, %swap3A_34] : memref<1x1x256x16x128xf32, #tpu.memory_space<vmem>>, vector<1x1x256x16x128xf32>
      tpu.vector_store %arg5[%swap3A, %swap3A_31, %swap3A_32, %swap3A_33, %swap3A_34], %broadcast_in_dim3A_30 {strides = array<i32>} : memref<1x1x256x16x128xf32, #tpu.memory_space<vmem>>, vector<1x1x256x16x128xf32>,
      %reduce_max3A = arith.constant dense<0xFF800000> : vector<256x16xf32>
      %reduce_max3A_36 = vector.multi_reduction <maximumf>, %reshape3A, %reduce_max3A [2] : vector<256x16x128xf32> to vector<256x16xf32>
      %broadcast_in_dim3A_37 = vector.shape_cast %reduce_max3A_36 : vector<256x16xf32> to vector<1x1x256x16xf32>
      %swap3A_38 = arith.constant 0 : index
      %swap3A_39 = arith.constant 0 : index
      %swap3A_40 = arith.constant 0 : index
      %swap3A_41 = arith.constant 0 : index
      %swap3A_42 = vector.load %arg6[%swap3A_38, %swap3A_39, %swap3A_40, %swap3A_41] : memref<1x1x256x16xf32, #tpu.memory_space<vmem>>, vector<1x1x256x16xf32>
      tpu.vector_store %arg6[%swap3A_38, %swap3A_39, %swap3A_40, %swap3A_41], %broadcast_in_dim3A_37 {strides = array<i32>} : memref<1x1x256x16xf32, #tpu.memory_space<vmem>>, vector<1x1x256x16xf32>,
    } else {
    }
    return
  }
  func.func @transform_0(%arg0: i32, %arg1: i32) -> (i32, i32) {
    %c0_i32 = arith.constant 0 : i32
    %c0_i32_0 = arith.constant 0 : i32
    return %arg0, %c0_i32 : i32, i32
  }
  func.func @transform_1(%arg0: i32, %arg1: i32) -> (i32, i32) {
    %c0_i32 = arith.constant 0 : i32
    %c0_i32_0 = arith.constant 0 : i32
    return %arg1, %c0_i32 : i32, i32
  }
  func.func @transform_2(%arg0: i32, %arg1: i32) -> (i32, i32, i32) {
    %c0_i32 = arith.constant 0 : i32
    %c0_i32_0 = arith.constant 0 : i32
    %c0_i32_1 = arith.constant 0 : i32
    return %arg1, %c0_i32, %c0_i32_0 : i32, i32, i32
  }
  func.func @transform_3(%arg0: i32, %arg1: i32) -> (i32, i32, i32, i32, i32) {
    %c0_i32 = arith.constant 0 : i32
    %c0_i32_0 = arith.constant 0 : i32
    %c0_i32_1 = arith.constant 0 : i32
    %c0_i32_2 = arith.constant 0 : i32
    return %arg0, %arg1, %c0_i32, %c0_i32_0, %c0_i32_1 : i32, i32, i32, i32, i32
  }
  func.func @transform_4(%arg0: i32, %arg1: i32) -> (i32, i32, i32, i32) {
    %c0_i32 = arith.constant 0 : i32
    %c0_i32_0 = arith.constant 0 : i32
    %c0_i32_1 = arith.constant 0 : i32
    return %arg0, %arg1, %c0_i32, %c0_i32_0 : i32, i32, i32, i32
  }
}

module attributes {stable_mosaic.version = 14 : i64} {
  func.func @_nb_body(%arg0: i32, %arg1: memref<2048x128xf32, #tpu.memory_space<vmem>>, %arg2: memref<1x1x2048xf32, #tpu.memory_space<vmem>>) attributes {dimension_semantics = [#tpu.dimension_semantics<arbitrary>], iteration_bounds = array<i64: 49>, scalar_prefetch = 0 : i64, scratch_operands = 0 : i64, tpu.core_type = #tpu.core_type<tc>, window_params = [{transform_indices = @transform_0, window_bounds = array<i64: 2048, 128>}, {transform_indices = @transform_1, window_bounds = array<i64: 1, 1, 2048>}]} {
    %get3A = arith.constant 0 : index
    %get3A_0 = arith.constant 0 : index
    %get3A_1 = vector.load %arg1[%get3A, %get3A_0] : memref<2048x128xf32, #tpu.memory_space<vmem>>, vector<2048x128xf32>
    %mul3A = arith.mulf %get3A_1, %get3A_1 : vector<2048x128xf32>
    %reduce_sum3A = arith.constant dense<0.000000e+00> : vector<2048xf32>
    %reduce_sum3A_2 = vector.multi_reduction <add>, %mul3A, %reduce_sum3A [1] : vector<2048x128xf32> to vector<2048xf32>
    %rsqrt3A = math.rsqrt %reduce_sum3A_2 : vector<2048xf32>
    %broadcast_in_dim3A = vector.shape_cast %rsqrt3A : vector<2048xf32> to vector<1x1x2048xf32>
    %swap3A = arith.constant 0 : index
    %swap3A_3 = arith.constant 0 : index
    %swap3A_4 = arith.constant 0 : index
    %swap3A_5 = vector.load %arg2[%swap3A, %swap3A_3, %swap3A_4] : memref<1x1x2048xf32, #tpu.memory_space<vmem>>, vector<1x1x2048xf32>
    tpu.vector_store %arg2[%swap3A, %swap3A_3, %swap3A_4], %broadcast_in_dim3A {strides = array<i32>} : memref<1x1x2048xf32, #tpu.memory_space<vmem>>, vector<1x1x2048xf32>,
    return
  }
  func.func @transform_0(%arg0: i32) -> (i32, i32) {
    %c0_i32 = arith.constant 0 : i32
    %c0_i32_0 = arith.constant 0 : i32
    return %arg0, %c0_i32 : i32, i32
  }
  func.func @transform_1(%arg0: i32) -> (i32, i32, i32) {
    %c0_i32 = arith.constant 0 : i32
    %c0_i32_0 = arith.constant 0 : i32
    %c0_i32_1 = arith.constant 0 : i32
    return %arg0, %c0_i32, %c0_i32_0 : i32, i32, i32
  }
}

module attributes {stable_mosaic.version = 14 : i64} {
  func.func @_k2_body(%arg0: i32, %arg1: memref<1x256x784xf32, #tpu.memory_space<vmem>>, %arg2: memref<1x256x32xi32, #tpu.memory_space<vmem>>, %arg3: memref<1x256x32xi32, #tpu.memory_space<vmem>>, %arg4: memref<256x784xf32, #tpu.memory_space<vmem>>) attributes {dimension_semantics = [#tpu.dimension_semantics<arbitrary>], iteration_bounds = array<i64: 16>, scalar_prefetch = 0 : i64, scratch_operands = 1 : i64, tpu.core_type = #tpu.core_type<tc>, window_params = [{transform_indices = @transform_0, window_bounds = array<i64: 1, 256, 784>}, {transform_indices = @transform_1, window_bounds = array<i64: 1, 256, 32>}, {transform_indices = @transform_2, window_bounds = array<i64: 1, 256, 32>}]} {
    %get3A = arith.constant 0 : index
    %get3A_0 = arith.constant 0 : index
    %get3A_1 = arith.constant 0 : index
    %get3A_2 = vector.load %arg1[%get3A, %get3A_0, %get3A_1] : memref<1x256x784xf32, #tpu.memory_space<vmem>>, vector<1x256x784xf32>
    %get3A_3 = vector.shape_cast %get3A_2 : vector<1x256x784xf32> to vector<256x784xf32>
    %swap3A = arith.constant 0 : index
    %swap3A_4 = arith.constant 0 : index
    %swap3A_5 = vector.load %arg4[%swap3A, %swap3A_4] : memref<256x784xf32, #tpu.memory_space<vmem>>, vector<256x784xf32>
    tpu.vector_store %arg4[%swap3A, %swap3A_4], %get3A_3 {strides = array<i32>} : memref<256x784xf32, #tpu.memory_space<vmem>>, vector<256x784xf32>,
    %iota3A = tpu.iota {dimensions = array<i32: 1>} : vector<256x784xi32>
    %iota3A_6 = tpu.iota {dimensions = array<i32: 1>} : vector<256x32xi32>
    %broadcast_in_dim3A = arith.constant 0 : i32
    %broadcast_in_dim3A_7 = vector.broadcast %broadcast_in_dim3A : i32 to vector<256x32xi32>
    %scan3A = arith.constant 0 : i32
    %scan3A_8 = arith.constant 32 : i32
    %scan3A_9 = arith.addi %scan3A, %scan3A_8 : i32
    %scan3A_10 = arith.constant 1 : i32
    %scan3A_11 = scf.for %scan3A_38 = %scan3A to %scan3A_9 step %scan3A_10 iter_args(%scan3A_39 = %broadcast_in_dim3A_7) -> (vector<256x32xi32>)  : i32 {
      %get3A_40 = arith.constant 0 : index
      %get3A_41 = arith.constant 0 : index
      %get3A_42 = vector.load %arg4[%get3A_40, %get3A_41] : memref<256x784xf32, #tpu.memory_space<vmem>>, vector<256x784xf32>
      %reduce_max3A = arith.constant dense<0xFF800000> : vector<256xf32>
      %reduce_max3A_43 = vector.multi_reduction <maximumf>, %get3A_42, %reduce_max3A [1] : vector<256x784xf32> to vector<256xf32>
      %broadcast_in_dim3A_44 = vector.shape_cast %reduce_max3A_43 : vector<256xf32> to vector<256x1xf32>
      %eq3A = vector.broadcast %broadcast_in_dim3A_44 : vector<256x1xf32> to vector<256x784xf32>
      %eq3A_45 = arith.cmpf oeq, %get3A_42, %eq3A : vector<256x784xf32>
      %jit3A = arith.constant 1048576 : i32
      %broadcast_in_dim3A_46 = vector.broadcast %jit3A : i32 to vector<256x784xi32>
      %select_n3A = arith.select %eq3A_45, %iota3A, %broadcast_in_dim3A_46 : vector<256x784xi1>, vector<256x784xi32>
      %reduce_min3A = arith.constant dense<2147483647> : vector<256xi32>
      %reduce_min3A_47 = vector.multi_reduction <minsi>, %select_n3A, %reduce_min3A [1] : vector<256x784xi32> to vector<256xi32>
      %broadcast_in_dim3A_48 = vector.shape_cast %reduce_min3A_47 : vector<256xi32> to vector<256x1xi32>
      %eq3A_49 = vector.broadcast %broadcast_in_dim3A_48 : vector<256x1xi32> to vector<256x784xi32>
      %eq3A_50 = arith.cmpi eq, %iota3A, %eq3A_49 : vector<256x784xi32>
      %jit3A_51 = arith.constant -2.000000e+30 : f32
      %broadcast_in_dim3A_52 = vector.broadcast %jit3A_51 : f32 to vector<256x784xf32>
      %select_n3A_53 = arith.select %eq3A_50, %broadcast_in_dim3A_52, %get3A_42 : vector<256x784xi1>, vector<256x784xf32>
      %swap3A_54 = arith.constant 0 : index
      %swap3A_55 = arith.constant 0 : index
      %swap3A_56 = vector.load %arg4[%swap3A_54, %swap3A_55] : memref<256x784xf32, #tpu.memory_space<vmem>>, vector<256x784xf32>
      tpu.vector_store %arg4[%swap3A_54, %swap3A_55], %select_n3A_53 {strides = array<i32>} : memref<256x784xf32, #tpu.memory_space<vmem>>, vector<256x784xf32>,
      %eq3A_57 = vector.broadcast %scan3A_38 : i32 to vector<256x32xi32>
      %eq3A_58 = arith.cmpi eq, %iota3A_6, %eq3A_57 : vector<256x32xi32>
      %broadcast_in_dim3A_59 = vector.shape_cast %broadcast_in_dim3A_48 : vector<256x1xi32> to vector<256x1xi32>
      %broadcast_in_dim3A_60 = vector.broadcast %broadcast_in_dim3A_59 : vector<256x1xi32> to vector<256x32xi32>
      %select_n3A_61 = arith.select %eq3A_58, %broadcast_in_dim3A_60, %scan3A_39 : vector<256x32xi1>, vector<256x32xi32>
      scf.yield %select_n3A_61 : vector<256x32xi32>
    }
    %scan3A_12 = arith.constant 32 : i32
    %iota3A_13 = tpu.iota {dimensions = array<i32: 0>} : vector<256x32xi32>
    %mul3A = arith.constant 200704 : i32
    %mul3A_14 = arith.muli %arg0, %mul3A : i32
    %shift_right_arithmetic3A = arith.constant 4 : i32
    %shift_right_arithmetic3A_15 = vector.broadcast %shift_right_arithmetic3A : i32 to vector<256x32xi32>
    %shift_right_arithmetic3A_16 = arith.shrsi %scan3A_11, %shift_right_arithmetic3A_15 : vector<256x32xi32>
    %mul3A_17 = arith.constant 4096 : i32
    %mul3A_18 = vector.broadcast %mul3A_17 : i32 to vector<256x32xi32>
    %mul3A_19 = arith.muli %shift_right_arithmetic3A_16, %mul3A_18 : vector<256x32xi32>
    %add3A = vector.broadcast %mul3A_14 : i32 to vector<256x32xi32>
    %add3A_20 = arith.addi %add3A, %mul3A_19 : vector<256x32xi32>
    %mul3A_21 = arith.constant 16 : i32
    %mul3A_22 = vector.broadcast %mul3A_21 : i32 to vector<256x32xi32>
    %mul3A_23 = arith.muli %iota3A_13, %mul3A_22 : vector<256x32xi32>
    %add3A_24 = arith.addi %add3A_20, %mul3A_23 : vector<256x32xi32>
    %and3A = arith.constant 15 : i32
    %and3A_25 = vector.broadcast %and3A : i32 to vector<256x32xi32>
    %and3A_26 = arith.andi %scan3A_11, %and3A_25 : vector<256x32xi32>
    %add3A_27 = arith.addi %add3A_24, %and3A_26 : vector<256x32xi32>
    %broadcast_in_dim3A_28 = vector.shape_cast %add3A_27 : vector<256x32xi32> to vector<1x256x32xi32>
    %swap3A_29 = arith.constant 0 : index
    %swap3A_30 = arith.constant 0 : index
    %swap3A_31 = arith.constant 0 : index
    %swap3A_32 = vector.load %arg2[%swap3A_29, %swap3A_30, %swap3A_31] : memref<1x256x32xi32, #tpu.memory_space<vmem>>, vector<1x256x32xi32>
    tpu.vector_store %arg2[%swap3A_29, %swap3A_30, %swap3A_31], %broadcast_in_dim3A_28 {strides = array<i32>} : memref<1x256x32xi32, #tpu.memory_space<vmem>>, vector<1x256x32xi32>,
    %broadcast_in_dim3A_33 = vector.shape_cast %scan3A_11 : vector<256x32xi32> to vector<1x256x32xi32>
    %swap3A_34 = arith.constant 0 : index
    %swap3A_35 = arith.constant 0 : index
    %swap3A_36 = arith.constant 0 : index
    %swap3A_37 = vector.load %arg3[%swap3A_34, %swap3A_35, %swap3A_36] : memref<1x256x32xi32, #tpu.memory_space<vmem>>, vector<1x256x32xi32>
    tpu.vector_store %arg3[%swap3A_34, %swap3A_35, %swap3A_36], %broadcast_in_dim3A_33 {strides = array<i32>} : memref<1x256x32xi32, #tpu.memory_space<vmem>>, vector<1x256x32xi32>,
    return
  }
  func.func @transform_0(%arg0: i32) -> (i32, i32, i32) {
    %c0_i32 = arith.constant 0 : i32
    %c0_i32_0 = arith.constant 0 : i32
    %c0_i32_1 = arith.constant 0 : i32
    return %arg0, %c0_i32, %c0_i32_0 : i32, i32, i32
  }
  func.func @transform_1(%arg0: i32) -> (i32, i32, i32) {
    %c0_i32 = arith.constant 0 : i32
    %c0_i32_0 = arith.constant 0 : i32
    %c0_i32_1 = arith.constant 0 : i32
    return %arg0, %c0_i32, %c0_i32_0 : i32, i32, i32
  }
  func.func @transform_2(%arg0: i32) -> (i32, i32, i32) {
    %c0_i32 = arith.constant 0 : i32
    %c0_i32_0 = arith.constant 0 : i32
    %c0_i32_1 = arith.constant 0 : i32
    return %arg0, %c0_i32, %c0_i32_0 : i32, i32, i32
  }
}

module attributes {stable_mosaic.version = 14 : i64} {
  func.func @_k4_body(%arg0: i32, %arg1: memref<1x256x32x128xf32, #tpu.memory_space<vmem>>, %arg2: memref<1x256x32xi32, #tpu.memory_space<vmem>>, %arg3: memref<1x256x32xi32, #tpu.memory_space<vmem>>, %arg4: memref<1x256x32xf32, #tpu.memory_space<vmem>>, %arg5: memref<256x4096xf32, #tpu.memory_space<vmem>>, %arg6: memref<256x4096xi32, #tpu.memory_space<vmem>>) attributes {dimension_semantics = [#tpu.dimension_semantics<arbitrary>], iteration_bounds = array<i64: 16>, scalar_prefetch = 0 : i64, scratch_operands = 2 : i64, tpu.core_type = #tpu.core_type<tc>, window_params = [{transform_indices = @transform_0, window_bounds = array<i64: 1, 256, 32, 128>}, {transform_indices = @transform_1, window_bounds = array<i64: 1, 256, 32>}, {transform_indices = @transform_2, window_bounds = array<i64: 1, 256, 32>}, {transform_indices = @transform_3, window_bounds = array<i64: 1, 256, 32>}]} {
    %get3A = arith.constant 0 : index
    %get3A_0 = arith.constant 0 : index
    %get3A_1 = arith.constant 0 : index
    %get3A_2 = arith.constant 0 : index
    %get3A_3 = vector.load %arg1[%get3A, %get3A_0, %get3A_1, %get3A_2] : memref<1x256x32x128xf32, #tpu.memory_space<vmem>>, vector<1x256x32x128xf32>
    %get3A_4 = vector.shape_cast %get3A_3 : vector<1x256x32x128xf32> to vector<256x32x128xf32>
    %get3A_5 = arith.constant 0 : index
    %get3A_6 = arith.constant 0 : index
    %get3A_7 = arith.constant 0 : index
    %get3A_8 = vector.load %arg2[%get3A_5, %get3A_6, %get3A_7] : memref<1x256x32xi32, #tpu.memory_space<vmem>>, vector<1x256x32xi32>
    %get3A_9 = vector.shape_cast %get3A_8 : vector<1x256x32xi32> to vector<256x32xi32>
    %broadcast_in_dim3A = vector.shape_cast %get3A_9 : vector<256x32xi32> to vector<256x32x1xi32>
    %mul3A = arith.constant 128 : i32
    %mul3A_10 = vector.broadcast %mul3A : i32 to vector<256x32x1xi32>
    %mul3A_11 = arith.muli %broadcast_in_dim3A, %mul3A_10 : vector<256x32x1xi32>
    %iota3A = tpu.iota {dimensions = array<i32: 2>} : vector<256x32x128xi32>
    %add3A = vector.broadcast %mul3A_11 : vector<256x32x1xi32> to vector<256x32x128xi32>
    %add3A_12 = arith.addi %add3A, %iota3A : vector<256x32x128xi32>
    %reshape3A = vector.shape_cast %get3A_4 : vector<256x32x128xf32> to vector<256x4096xf32>
    %swap3A = arith.constant 0 : index
    %swap3A_13 = arith.constant 0 : index
    %swap3A_14 = vector.load %arg5[%swap3A, %swap3A_13] : memref<256x4096xf32, #tpu.memory_space<vmem>>, vector<256x4096xf32>
    tpu.vector_store %arg5[%swap3A, %swap3A_13], %reshape3A {strides = array<i32>} : memref<256x4096xf32, #tpu.memory_space<vmem>>, vector<256x4096xf32>,
    %reshape3A_15 = vector.shape_cast %add3A_12 : vector<256x32x128xi32> to vector<256x4096xi32>
    %swap3A_16 = arith.constant 0 : index
    %swap3A_17 = arith.constant 0 : index
    %swap3A_18 = vector.load %arg6[%swap3A_16, %swap3A_17] : memref<256x4096xi32, #tpu.memory_space<vmem>>, vector<256x4096xi32>
    tpu.vector_store %arg6[%swap3A_16, %swap3A_17], %reshape3A_15 {strides = array<i32>} : memref<256x4096xi32, #tpu.memory_space<vmem>>, vector<256x4096xi32>,
    %iota3A_19 = tpu.iota {dimensions = array<i32: 1>} : vector<256x32xi32>
    %broadcast_in_dim3A_20 = arith.constant 0.000000e+00 : f32
    %broadcast_in_dim3A_21 = vector.broadcast %broadcast_in_dim3A_20 : f32 to vector<256x32xf32>
    %broadcast_in_dim3A_22 = arith.constant 0 : i32
    %broadcast_in_dim3A_23 = vector.broadcast %broadcast_in_dim3A_22 : i32 to vector<256x32xi32>
    %scan3A = arith.constant 0 : i32
    %scan3A_24 = arith.constant 32 : i32
    %scan3A_25 = arith.addi %scan3A, %scan3A_24 : i32
    %scan3A_26 = arith.constant 1 : i32
    %scan3A_27:2 = scf.for %scan3A_47 = %scan3A to %scan3A_25 step %scan3A_26 iter_args(%scan3A_48 = %broadcast_in_dim3A_21, %scan3A_49 = %broadcast_in_dim3A_23) -> (vector<256x32xf32>, vector<256x32xi32>)  : i32 {
      %get3A_50 = arith.constant 0 : index
      %get3A_51 = arith.constant 0 : index
      %get3A_52 = vector.load %arg5[%get3A_50, %get3A_51] : memref<256x4096xf32, #tpu.memory_space<vmem>>, vector<256x4096xf32>
      %get3A_53 = arith.constant 0 : index
      %get3A_54 = arith.constant 0 : index
      %get3A_55 = vector.load %arg6[%get3A_53, %get3A_54] : memref<256x4096xi32, #tpu.memory_space<vmem>>, vector<256x4096xi32>
      %reduce_max3A_56 = arith.constant dense<0xFF800000> : vector<256xf32>
      %reduce_max3A_57 = vector.multi_reduction <maximumf>, %get3A_52, %reduce_max3A_56 [1] : vector<256x4096xf32> to vector<256xf32>
      %broadcast_in_dim3A_58 = vector.shape_cast %reduce_max3A_57 : vector<256xf32> to vector<256x1xf32>
      %eq3A = vector.broadcast %broadcast_in_dim3A_58 : vector<256x1xf32> to vector<256x4096xf32>
      %eq3A_59 = arith.cmpf oeq, %get3A_52, %eq3A : vector<256x4096xf32>
      %jit3A = arith.constant 1073741824 : i32
      %broadcast_in_dim3A_60 = vector.broadcast %jit3A : i32 to vector<256x4096xi32>
      %select_n3A = arith.select %eq3A_59, %get3A_55, %broadcast_in_dim3A_60 : vector<256x4096xi1>, vector<256x4096xi32>
      %reduce_min3A = arith.constant dense<2147483647> : vector<256xi32>
      %reduce_min3A_61 = vector.multi_reduction <minsi>, %select_n3A, %reduce_min3A [1] : vector<256x4096xi32> to vector<256xi32>
      %broadcast_in_dim3A_62 = vector.shape_cast %reduce_min3A_61 : vector<256xi32> to vector<256x1xi32>
      %eq3A_63 = vector.broadcast %broadcast_in_dim3A_62 : vector<256x1xi32> to vector<256x4096xi32>
      %eq3A_64 = arith.cmpi eq, %get3A_55, %eq3A_63 : vector<256x4096xi32>
      %and3A = arith.andi %eq3A_59, %eq3A_64 : vector<256x4096xi1>
      %jit3A_65 = arith.constant -2.000000e+30 : f32
      %broadcast_in_dim3A_66 = vector.broadcast %jit3A_65 : f32 to vector<256x4096xf32>
      %select_n3A_67 = arith.select %and3A, %broadcast_in_dim3A_66, %get3A_52 : vector<256x4096xi1>, vector<256x4096xf32>
      %swap3A_68 = arith.constant 0 : index
      %swap3A_69 = arith.constant 0 : index
      %swap3A_70 = vector.load %arg5[%swap3A_68, %swap3A_69] : memref<256x4096xf32, #tpu.memory_space<vmem>>, vector<256x4096xf32>
      tpu.vector_store %arg5[%swap3A_68, %swap3A_69], %select_n3A_67 {strides = array<i32>} : memref<256x4096xf32, #tpu.memory_space<vmem>>, vector<256x4096xf32>,
      %eq3A_71 = vector.broadcast %scan3A_47 : i32 to vector<256x32xi32>
      %eq3A_72 = arith.cmpi eq, %iota3A_19, %eq3A_71 : vector<256x32xi32>
      %broadcast_in_dim3A_73 = vector.shape_cast %broadcast_in_dim3A_58 : vector<256x1xf32> to vector<256x1xf32>
      %broadcast_in_dim3A_74 = vector.broadcast %broadcast_in_dim3A_73 : vector<256x1xf32> to vector<256x32xf32>
      %select_n3A_75 = arith.select %eq3A_72, %broadcast_in_dim3A_74, %scan3A_48 : vector<256x32xi1>, vector<256x32xf32>
      %eq3A_76 = vector.broadcast %scan3A_47 : i32 to vector<256x32xi32>
      %eq3A_77 = arith.cmpi eq, %iota3A_19, %eq3A_76 : vector<256x32xi32>
      %broadcast_in_dim3A_78 = vector.shape_cast %broadcast_in_dim3A_62 : vector<256x1xi32> to vector<256x1xi32>
      %broadcast_in_dim3A_79 = vector.broadcast %broadcast_in_dim3A_78 : vector<256x1xi32> to vector<256x32xi32>
      %select_n3A_80 = arith.select %eq3A_77, %broadcast_in_dim3A_79, %scan3A_49 : vector<256x32xi1>, vector<256x32xi32>
      scf.yield %select_n3A_75, %select_n3A_80 : vector<256x32xf32>, vector<256x32xi32>
    }
    %scan3A_28 = arith.constant 32 : i32
    %max3A = arith.constant 0.000000e+00 : f32
    %max3A_29 = vector.broadcast %max3A : f32 to vector<256x32xf32>
    %max3A_30 = arith.maximumf %scan3A_27#0, %max3A_29 : vector<256x32xf32>
    %reduce_max3A = arith.constant dense<0xFF800000> : vector<256xf32>
    %reduce_max3A_31 = vector.multi_reduction <maximumf>, %max3A_30, %reduce_max3A [1] : vector<256x32xf32> to vector<256xf32>
    %broadcast_in_dim3A_32 = vector.shape_cast %reduce_max3A_31 : vector<256xf32> to vector<256x1xf32>
    %sub3A = vector.broadcast %broadcast_in_dim3A_32 : vector<256x1xf32> to vector<256x32xf32>
    %sub3A_33 = arith.subf %max3A_30, %sub3A : vector<256x32xf32>
    %exp3A = math.exp %sub3A_33 : vector<256x32xf32>
    %reduce_sum3A = arith.constant dense<0.000000e+00> : vector<256xf32>
    %reduce_sum3A_34 = vector.multi_reduction <add>, %exp3A, %reduce_sum3A [1] : vector<256x32xf32> to vector<256xf32>
    %broadcast_in_dim3A_35 = vector.shape_cast %reduce_sum3A_34 : vector<256xf32> to vector<256x1xf32>
    %div3A = vector.broadcast %broadcast_in_dim3A_35 : vector<256x1xf32> to vector<256x32xf32>
    %div3A_36 = arith.divf %exp3A, %div3A : vector<256x32xf32>
    %broadcast_in_dim3A_37 = vector.shape_cast %scan3A_27#1 : vector<256x32xi32> to vector<1x256x32xi32>
    %swap3A_38 = arith.constant 0 : index
    %swap3A_39 = arith.constant 0 : index
    %swap3A_40 = arith.constant 0 : index
    %swap3A_41 = vector.load %arg3[%swap3A_38, %swap3A_39, %swap3A_40] : memref<1x256x32xi32, #tpu.memory_space<vmem>>, vector<1x256x32xi32>
    tpu.vector_store %arg3[%swap3A_38, %swap3A_39, %swap3A_40], %broadcast_in_dim3A_37 {strides = array<i32>} : memref<1x256x32xi32, #tpu.memory_space<vmem>>, vector<1x256x32xi32>,
    %broadcast_in_dim3A_42 = vector.shape_cast %div3A_36 : vector<256x32xf32> to vector<1x256x32xf32>
    %swap3A_43 = arith.constant 0 : index
    %swap3A_44 = arith.constant 0 : index
    %swap3A_45 = arith.constant 0 : index
    %swap3A_46 = vector.load %arg4[%swap3A_43, %swap3A_44, %swap3A_45] : memref<1x256x32xf32, #tpu.memory_space<vmem>>, vector<1x256x32xf32>
    tpu.vector_store %arg4[%swap3A_43, %swap3A_44, %swap3A_45], %broadcast_in_dim3A_42 {strides = array<i32>} : memref<1x256x32xf32, #tpu.memory_space<vmem>>, vector<1x256x32xf32>,
    return
  }
  func.func @transform_0(%arg0: i32) -> (i32, i32, i32, i32) {
    %c0_i32 = arith.constant 0 : i32
    %c0_i32_0 = arith.constant 0 : i32
    %c0_i32_1 = arith.constant 0 : i32
    %c0_i32_2 = arith.constant 0 : i32
    return %arg0, %c0_i32, %c0_i32_0, %c0_i32_1 : i32, i32, i32, i32
  }
  func.func @transform_1(%arg0: i32) -> (i32, i32, i32) {
    %c0_i32 = arith.constant 0 : i32
    %c0_i32_0 = arith.constant 0 : i32
    %c0_i32_1 = arith.constant 0 : i32
    return %arg0, %c0_i32, %c0_i32_0 : i32, i32, i32
  }
  func.func @transform_2(%arg0: i32) -> (i32, i32, i32) {
    %c0_i32 = arith.constant 0 : i32
    %c0_i32_0 = arith.constant 0 : i32
    %c0_i32_1 = arith.constant 0 : i32
    return %arg0, %c0_i32, %c0_i32_0 : i32, i32, i32
  }
  func.func @transform_3(%arg0: i32) -> (i32, i32, i32) {
    %c0_i32 = arith.constant 0 : i32
    %c0_i32_0 = arith.constant 0 : i32
    %c0_i32_1 = arith.constant 0 : i32
    return %arg0, %c0_i32, %c0_i32_0 : i32, i32, i32
  }
}

module attributes {stable_mosaic.version = 14 : i64} {
  func.func @_k6_body(%arg0: i32, %arg1: memref<1x256x32x128xf32, #tpu.memory_space<vmem>>, %arg2: memref<1x256x32xf32, #tpu.memory_space<vmem>>, %arg3: memref<256x128xf32, #tpu.memory_space<vmem>>) attributes {dimension_semantics = [#tpu.dimension_semantics<arbitrary>], iteration_bounds = array<i64: 16>, scalar_prefetch = 0 : i64, scratch_operands = 0 : i64, tpu.core_type = #tpu.core_type<tc>, window_params = [{transform_indices = @transform_0, window_bounds = array<i64: 1, 256, 32, 128>}, {transform_indices = @transform_1, window_bounds = array<i64: 1, 256, 32>}, {transform_indices = @transform_2, window_bounds = array<i64: 256, 128>}]} {
    %get3A = arith.constant 0 : index
    %get3A_0 = arith.constant 0 : index
    %get3A_1 = arith.constant 0 : index
    %get3A_2 = arith.constant 0 : index
    %get3A_3 = vector.load %arg1[%get3A, %get3A_0, %get3A_1, %get3A_2] : memref<1x256x32x128xf32, #tpu.memory_space<vmem>>, vector<1x256x32x128xf32>
    %get3A_4 = vector.shape_cast %get3A_3 : vector<1x256x32x128xf32> to vector<256x32x128xf32>
    %get3A_5 = arith.constant 0 : index
    %get3A_6 = arith.constant 0 : index
    %get3A_7 = arith.constant 0 : index
    %get3A_8 = vector.load %arg2[%get3A_5, %get3A_6, %get3A_7] : memref<1x256x32xf32, #tpu.memory_space<vmem>>, vector<1x256x32xf32>
    %get3A_9 = vector.shape_cast %get3A_8 : vector<1x256x32xf32> to vector<256x32xf32>
    %slice3A = vector.extract_strided_slice %get3A_4 {offsets = [0, 0, 0], sizes = [256, 1, 128], strides = [1, 1, 1]} : vector<256x32x128xf32> to vector<256x1x128xf32>
    %squeeze3A = vector.shape_cast %slice3A : vector<256x1x128xf32> to vector<256x128xf32>
    %slice3A_10 = vector.extract_strided_slice %get3A_9 {offsets = [0, 0], sizes = [256, 1], strides = [1, 1]} : vector<256x32xf32> to vector<256x1xf32>
    %squeeze3A_11 = vector.shape_cast %slice3A_10 : vector<256x1xf32> to vector<256xf32>
    %broadcast_in_dim3A = vector.shape_cast %squeeze3A_11 : vector<256xf32> to vector<256x1xf32>
    %mul3A = vector.broadcast %broadcast_in_dim3A : vector<256x1xf32> to vector<256x128xf32>
    %mul3A_12 = arith.mulf %squeeze3A, %mul3A : vector<256x128xf32>
    %slice3A_13 = vector.extract_strided_slice %get3A_4 {offsets = [0, 1, 0], sizes = [256, 1, 128], strides = [1, 1, 1]} : vector<256x32x128xf32> to vector<256x1x128xf32>
    %squeeze3A_14 = vector.shape_cast %slice3A_13 : vector<256x1x128xf32> to vector<256x128xf32>
    %slice3A_15 = vector.extract_strided_slice %get3A_9 {offsets = [0, 1], sizes = [256, 1], strides = [1, 1]} : vector<256x32xf32> to vector<256x1xf32>
    %squeeze3A_16 = vector.shape_cast %slice3A_15 : vector<256x1xf32> to vector<256xf32>
    %broadcast_in_dim3A_17 = vector.shape_cast %squeeze3A_16 : vector<256xf32> to vector<256x1xf32>
    %mul3A_18 = vector.broadcast %broadcast_in_dim3A_17 : vector<256x1xf32> to vector<256x128xf32>
    %mul3A_19 = arith.mulf %squeeze3A_14, %mul3A_18 : vector<256x128xf32>
    %add3A = arith.addf %mul3A_12, %mul3A_19 : vector<256x128xf32>
    %slice3A_20 = vector.extract_strided_slice %get3A_4 {offsets = [0, 2, 0], sizes = [256, 1, 128], strides = [1, 1, 1]} : vector<256x32x128xf32> to vector<256x1x128xf32>
    %squeeze3A_21 = vector.shape_cast %slice3A_20 : vector<256x1x128xf32> to vector<256x128xf32>
    %slice3A_22 = vector.extract_strided_slice %get3A_9 {offsets = [0, 2], sizes = [256, 1], strides = [1, 1]} : vector<256x32xf32> to vector<256x1xf32>
    %squeeze3A_23 = vector.shape_cast %slice3A_22 : vector<256x1xf32> to vector<256xf32>
    %broadcast_in_dim3A_24 = vector.shape_cast %squeeze3A_23 : vector<256xf32> to vector<256x1xf32>
    %mul3A_25 = vector.broadcast %broadcast_in_dim3A_24 : vector<256x1xf32> to vector<256x128xf32>
    %mul3A_26 = arith.mulf %squeeze3A_21, %mul3A_25 : vector<256x128xf32>
    %add3A_27 = arith.addf %add3A, %mul3A_26 : vector<256x128xf32>
    %slice3A_28 = vector.extract_strided_slice %get3A_4 {offsets = [0, 3, 0], sizes = [256, 1, 128], strides = [1, 1, 1]} : vector<256x32x128xf32> to vector<256x1x128xf32>
    %squeeze3A_29 = vector.shape_cast %slice3A_28 : vector<256x1x128xf32> to vector<256x128xf32>
    %slice3A_30 = vector.extract_strided_slice %get3A_9 {offsets = [0, 3], sizes = [256, 1], strides = [1, 1]} : vector<256x32xf32> to vector<256x1xf32>
    %squeeze3A_31 = vector.shape_cast %slice3A_30 : vector<256x1xf32> to vector<256xf32>
    %broadcast_in_dim3A_32 = vector.shape_cast %squeeze3A_31 : vector<256xf32> to vector<256x1xf32>
    %mul3A_33 = vector.broadcast %broadcast_in_dim3A_32 : vector<256x1xf32> to vector<256x128xf32>
    %mul3A_34 = arith.mulf %squeeze3A_29, %mul3A_33 : vector<256x128xf32>
    %add3A_35 = arith.addf %add3A_27, %mul3A_34 : vector<256x128xf32>
    %slice3A_36 = vector.extract_strided_slice %get3A_4 {offsets = [0, 4, 0], sizes = [256, 1, 128], strides = [1, 1, 1]} : vector<256x32x128xf32> to vector<256x1x128xf32>
    %squeeze3A_37 = vector.shape_cast %slice3A_36 : vector<256x1x128xf32> to vector<256x128xf32>
    %slice3A_38 = vector.extract_strided_slice %get3A_9 {offsets = [0, 4], sizes = [256, 1], strides = [1, 1]} : vector<256x32xf32> to vector<256x1xf32>
    %squeeze3A_39 = vector.shape_cast %slice3A_38 : vector<256x1xf32> to vector<256xf32>
    %broadcast_in_dim3A_40 = vector.shape_cast %squeeze3A_39 : vector<256xf32> to vector<256x1xf32>
    %mul3A_41 = vector.broadcast %broadcast_in_dim3A_40 : vector<256x1xf32> to vector<256x128xf32>
    %mul3A_42 = arith.mulf %squeeze3A_37, %mul3A_41 : vector<256x128xf32>
    %add3A_43 = arith.addf %add3A_35, %mul3A_42 : vector<256x128xf32>
    %slice3A_44 = vector.extract_strided_slice %get3A_4 {offsets = [0, 5, 0], sizes = [256, 1, 128], strides = [1, 1, 1]} : vector<256x32x128xf32> to vector<256x1x128xf32>
    %squeeze3A_45 = vector.shape_cast %slice3A_44 : vector<256x1x128xf32> to vector<256x128xf32>
    %slice3A_46 = vector.extract_strided_slice %get3A_9 {offsets = [0, 5], sizes = [256, 1], strides = [1, 1]} : vector<256x32xf32> to vector<256x1xf32>
    %squeeze3A_47 = vector.shape_cast %slice3A_46 : vector<256x1xf32> to vector<256xf32>
    %broadcast_in_dim3A_48 = vector.shape_cast %squeeze3A_47 : vector<256xf32> to vector<256x1xf32>
    %mul3A_49 = vector.broadcast %broadcast_in_dim3A_48 : vector<256x1xf32> to vector<256x128xf32>
    %mul3A_50 = arith.mulf %squeeze3A_45, %mul3A_49 : vector<256x128xf32>
    %add3A_51 = arith.addf %add3A_43, %mul3A_50 : vector<256x128xf32>
    %slice3A_52 = vector.extract_strided_slice %get3A_4 {offsets = [0, 6, 0], sizes = [256, 1, 128], strides = [1, 1, 1]} : vector<256x32x128xf32> to vector<256x1x128xf32>
    %squeeze3A_53 = vector.shape_cast %slice3A_52 : vector<256x1x128xf32> to vector<256x128xf32>
    %slice3A_54 = vector.extract_strided_slice %get3A_9 {offsets = [0, 6], sizes = [256, 1], strides = [1, 1]} : vector<256x32xf32> to vector<256x1xf32>
    %squeeze3A_55 = vector.shape_cast %slice3A_54 : vector<256x1xf32> to vector<256xf32>
    %broadcast_in_dim3A_56 = vector.shape_cast %squeeze3A_55 : vector<256xf32> to vector<256x1xf32>
    %mul3A_57 = vector.broadcast %broadcast_in_dim3A_56 : vector<256x1xf32> to vector<256x128xf32>
    %mul3A_58 = arith.mulf %squeeze3A_53, %mul3A_57 : vector<256x128xf32>
    %add3A_59 = arith.addf %add3A_51, %mul3A_58 : vector<256x128xf32>
    %slice3A_60 = vector.extract_strided_slice %get3A_4 {offsets = [0, 7, 0], sizes = [256, 1, 128], strides = [1, 1, 1]} : vector<256x32x128xf32> to vector<256x1x128xf32>
    %squeeze3A_61 = vector.shape_cast %slice3A_60 : vector<256x1x128xf32> to vector<256x128xf32>
    %slice3A_62 = vector.extract_strided_slice %get3A_9 {offsets = [0, 7], sizes = [256, 1], strides = [1, 1]} : vector<256x32xf32> to vector<256x1xf32>
    %squeeze3A_63 = vector.shape_cast %slice3A_62 : vector<256x1xf32> to vector<256xf32>
    %broadcast_in_dim3A_64 = vector.shape_cast %squeeze3A_63 : vector<256xf32> to vector<256x1xf32>
    %mul3A_65 = vector.broadcast %broadcast_in_dim3A_64 : vector<256x1xf32> to vector<256x128xf32>
    %mul3A_66 = arith.mulf %squeeze3A_61, %mul3A_65 : vector<256x128xf32>
    %add3A_67 = arith.addf %add3A_59, %mul3A_66 : vector<256x128xf32>
    %slice3A_68 = vector.extract_strided_slice %get3A_4 {offsets = [0, 8, 0], sizes = [256, 1, 128], strides = [1, 1, 1]} : vector<256x32x128xf32> to vector<256x1x128xf32>
    %squeeze3A_69 = vector.shape_cast %slice3A_68 : vector<256x1x128xf32> to vector<256x128xf32>
    %slice3A_70 = vector.extract_strided_slice %get3A_9 {offsets = [0, 8], sizes = [256, 1], strides = [1, 1]} : vector<256x32xf32> to vector<256x1xf32>
    %squeeze3A_71 = vector.shape_cast %slice3A_70 : vector<256x1xf32> to vector<256xf32>
    %broadcast_in_dim3A_72 = vector.shape_cast %squeeze3A_71 : vector<256xf32> to vector<256x1xf32>
    %mul3A_73 = vector.broadcast %broadcast_in_dim3A_72 : vector<256x1xf32> to vector<256x128xf32>
    %mul3A_74 = arith.mulf %squeeze3A_69, %mul3A_73 : vector<256x128xf32>
    %add3A_75 = arith.addf %add3A_67, %mul3A_74 : vector<256x128xf32>
    %slice3A_76 = vector.extract_strided_slice %get3A_4 {offsets = [0, 9, 0], sizes = [256, 1, 128], strides = [1, 1, 1]} : vector<256x32x128xf32> to vector<256x1x128xf32>
    %squeeze3A_77 = vector.shape_cast %slice3A_76 : vector<256x1x128xf32> to vector<256x128xf32>
    %slice3A_78 = vector.extract_strided_slice %get3A_9 {offsets = [0, 9], sizes = [256, 1], strides = [1, 1]} : vector<256x32xf32> to vector<256x1xf32>
    %squeeze3A_79 = vector.shape_cast %slice3A_78 : vector<256x1xf32> to vector<256xf32>
    %broadcast_in_dim3A_80 = vector.shape_cast %squeeze3A_79 : vector<256xf32> to vector<256x1xf32>
    %mul3A_81 = vector.broadcast %broadcast_in_dim3A_80 : vector<256x1xf32> to vector<256x128xf32>
    %mul3A_82 = arith.mulf %squeeze3A_77, %mul3A_81 : vector<256x128xf32>
    %add3A_83 = arith.addf %add3A_75, %mul3A_82 : vector<256x128xf32>
    %slice3A_84 = vector.extract_strided_slice %get3A_4 {offsets = [0, 10, 0], sizes = [256, 1, 128], strides = [1, 1, 1]} : vector<256x32x128xf32> to vector<256x1x128xf32>
    %squeeze3A_85 = vector.shape_cast %slice3A_84 : vector<256x1x128xf32> to vector<256x128xf32>
    %slice3A_86 = vector.extract_strided_slice %get3A_9 {offsets = [0, 10], sizes = [256, 1], strides = [1, 1]} : vector<256x32xf32> to vector<256x1xf32>
    %squeeze3A_87 = vector.shape_cast %slice3A_86 : vector<256x1xf32> to vector<256xf32>
    %broadcast_in_dim3A_88 = vector.shape_cast %squeeze3A_87 : vector<256xf32> to vector<256x1xf32>
    %mul3A_89 = vector.broadcast %broadcast_in_dim3A_88 : vector<256x1xf32> to vector<256x128xf32>
    %mul3A_90 = arith.mulf %squeeze3A_85, %mul3A_89 : vector<256x128xf32>
    %add3A_91 = arith.addf %add3A_83, %mul3A_90 : vector<256x128xf32>
    %slice3A_92 = vector.extract_strided_slice %get3A_4 {offsets = [0, 11, 0], sizes = [256, 1, 128], strides = [1, 1, 1]} : vector<256x32x128xf32> to vector<256x1x128xf32>
    %squeeze3A_93 = vector.shape_cast %slice3A_92 : vector<256x1x128xf32> to vector<256x128xf32>
    %slice3A_94 = vector.extract_strided_slice %get3A_9 {offsets = [0, 11], sizes = [256, 1], strides = [1, 1]} : vector<256x32xf32> to vector<256x1xf32>
    %squeeze3A_95 = vector.shape_cast %slice3A_94 : vector<256x1xf32> to vector<256xf32>
    %broadcast_in_dim3A_96 = vector.shape_cast %squeeze3A_95 : vector<256xf32> to vector<256x1xf32>
    %mul3A_97 = vector.broadcast %broadcast_in_dim3A_96 : vector<256x1xf32> to vector<256x128xf32>
    %mul3A_98 = arith.mulf %squeeze3A_93, %mul3A_97 : vector<256x128xf32>
    %add3A_99 = arith.addf %add3A_91, %mul3A_98 : vector<256x128xf32>
    %slice3A_100 = vector.extract_strided_slice %get3A_4 {offsets = [0, 12, 0], sizes = [256, 1, 128], strides = [1, 1, 1]} : vector<256x32x128xf32> to vector<256x1x128xf32>
    %squeeze3A_101 = vector.shape_cast %slice3A_100 : vector<256x1x128xf32> to vector<256x128xf32>
    %slice3A_102 = vector.extract_strided_slice %get3A_9 {offsets = [0, 12], sizes = [256, 1], strides = [1, 1]} : vector<256x32xf32> to vector<256x1xf32>
    %squeeze3A_103 = vector.shape_cast %slice3A_102 : vector<256x1xf32> to vector<256xf32>
    %broadcast_in_dim3A_104 = vector.shape_cast %squeeze3A_103 : vector<256xf32> to vector<256x1xf32>
    %mul3A_105 = vector.broadcast %broadcast_in_dim3A_104 : vector<256x1xf32> to vector<256x128xf32>
    %mul3A_106 = arith.mulf %squeeze3A_101, %mul3A_105 : vector<256x128xf32>
    %add3A_107 = arith.addf %add3A_99, %mul3A_106 : vector<256x128xf32>
    %slice3A_108 = vector.extract_strided_slice %get3A_4 {offsets = [0, 13, 0], sizes = [256, 1, 128], strides = [1, 1, 1]} : vector<256x32x128xf32> to vector<256x1x128xf32>
    %squeeze3A_109 = vector.shape_cast %slice3A_108 : vector<256x1x128xf32> to vector<256x128xf32>
    %slice3A_110 = vector.extract_strided_slice %get3A_9 {offsets = [0, 13], sizes = [256, 1], strides = [1, 1]} : vector<256x32xf32> to vector<256x1xf32>
    %squeeze3A_111 = vector.shape_cast %slice3A_110 : vector<256x1xf32> to vector<256xf32>
    %broadcast_in_dim3A_112 = vector.shape_cast %squeeze3A_111 : vector<256xf32> to vector<256x1xf32>
    %mul3A_113 = vector.broadcast %broadcast_in_dim3A_112 : vector<256x1xf32> to vector<256x128xf32>
    %mul3A_114 = arith.mulf %squeeze3A_109, %mul3A_113 : vector<256x128xf32>
    %add3A_115 = arith.addf %add3A_107, %mul3A_114 : vector<256x128xf32>
    %slice3A_116 = vector.extract_strided_slice %get3A_4 {offsets = [0, 14, 0], sizes = [256, 1, 128], strides = [1, 1, 1]} : vector<256x32x128xf32> to vector<256x1x128xf32>
    %squeeze3A_117 = vector.shape_cast %slice3A_116 : vector<256x1x128xf32> to vector<256x128xf32>
    %slice3A_118 = vector.extract_strided_slice %get3A_9 {offsets = [0, 14], sizes = [256, 1], strides = [1, 1]} : vector<256x32xf32> to vector<256x1xf32>
    %squeeze3A_119 = vector.shape_cast %slice3A_118 : vector<256x1xf32> to vector<256xf32>
    %broadcast_in_dim3A_120 = vector.shape_cast %squeeze3A_119 : vector<256xf32> to vector<256x1xf32>
    %mul3A_121 = vector.broadcast %broadcast_in_dim3A_120 : vector<256x1xf32> to vector<256x128xf32>
    %mul3A_122 = arith.mulf %squeeze3A_117, %mul3A_121 : vector<256x128xf32>
    %add3A_123 = arith.addf %add3A_115, %mul3A_122 : vector<256x128xf32>
    %slice3A_124 = vector.extract_strided_slice %get3A_4 {offsets = [0, 15, 0], sizes = [256, 1, 128], strides = [1, 1, 1]} : vector<256x32x128xf32> to vector<256x1x128xf32>
    %squeeze3A_125 = vector.shape_cast %slice3A_124 : vector<256x1x128xf32> to vector<256x128xf32>
    %slice3A_126 = vector.extract_strided_slice %get3A_9 {offsets = [0, 15], sizes = [256, 1], strides = [1, 1]} : vector<256x32xf32> to vector<256x1xf32>
    %squeeze3A_127 = vector.shape_cast %slice3A_126 : vector<256x1xf32> to vector<256xf32>
    %broadcast_in_dim3A_128 = vector.shape_cast %squeeze3A_127 : vector<256xf32> to vector<256x1xf32>
    %mul3A_129 = vector.broadcast %broadcast_in_dim3A_128 : vector<256x1xf32> to vector<256x128xf32>
    %mul3A_130 = arith.mulf %squeeze3A_125, %mul3A_129 : vector<256x128xf32>
    %add3A_131 = arith.addf %add3A_123, %mul3A_130 : vector<256x128xf32>
    %slice3A_132 = vector.extract_strided_slice %get3A_4 {offsets = [0, 16, 0], sizes = [256, 1, 128], strides = [1, 1, 1]} : vector<256x32x128xf32> to vector<256x1x128xf32>
    %squeeze3A_133 = vector.shape_cast %slice3A_132 : vector<256x1x128xf32> to vector<256x128xf32>
    %slice3A_134 = vector.extract_strided_slice %get3A_9 {offsets = [0, 16], sizes = [256, 1], strides = [1, 1]} : vector<256x32xf32> to vector<256x1xf32>
    %squeeze3A_135 = vector.shape_cast %slice3A_134 : vector<256x1xf32> to vector<256xf32>
    %broadcast_in_dim3A_136 = vector.shape_cast %squeeze3A_135 : vector<256xf32> to vector<256x1xf32>
    %mul3A_137 = vector.broadcast %broadcast_in_dim3A_136 : vector<256x1xf32> to vector<256x128xf32>
    %mul3A_138 = arith.mulf %squeeze3A_133, %mul3A_137 : vector<256x128xf32>
    %add3A_139 = arith.addf %add3A_131, %mul3A_138 : vector<256x128xf32>
    %slice3A_140 = vector.extract_strided_slice %get3A_4 {offsets = [0, 17, 0], sizes = [256, 1, 128], strides = [1, 1, 1]} : vector<256x32x128xf32> to vector<256x1x128xf32>
    %squeeze3A_141 = vector.shape_cast %slice3A_140 : vector<256x1x128xf32> to vector<256x128xf32>
    %slice3A_142 = vector.extract_strided_slice %get3A_9 {offsets = [0, 17], sizes = [256, 1], strides = [1, 1]} : vector<256x32xf32> to vector<256x1xf32>
    %squeeze3A_143 = vector.shape_cast %slice3A_142 : vector<256x1xf32> to vector<256xf32>
    %broadcast_in_dim3A_144 = vector.shape_cast %squeeze3A_143 : vector<256xf32> to vector<256x1xf32>
    %mul3A_145 = vector.broadcast %broadcast_in_dim3A_144 : vector<256x1xf32> to vector<256x128xf32>
    %mul3A_146 = arith.mulf %squeeze3A_141, %mul3A_145 : vector<256x128xf32>
    %add3A_147 = arith.addf %add3A_139, %mul3A_146 : vector<256x128xf32>
    %slice3A_148 = vector.extract_strided_slice %get3A_4 {offsets = [0, 18, 0], sizes = [256, 1, 128], strides = [1, 1, 1]} : vector<256x32x128xf32> to vector<256x1x128xf32>
    %squeeze3A_149 = vector.shape_cast %slice3A_148 : vector<256x1x128xf32> to vector<256x128xf32>
    %slice3A_150 = vector.extract_strided_slice %get3A_9 {offsets = [0, 18], sizes = [256, 1], strides = [1, 1]} : vector<256x32xf32> to vector<256x1xf32>
    %squeeze3A_151 = vector.shape_cast %slice3A_150 : vector<256x1xf32> to vector<256xf32>
    %broadcast_in_dim3A_152 = vector.shape_cast %squeeze3A_151 : vector<256xf32> to vector<256x1xf32>
    %mul3A_153 = vector.broadcast %broadcast_in_dim3A_152 : vector<256x1xf32> to vector<256x128xf32>
    %mul3A_154 = arith.mulf %squeeze3A_149, %mul3A_153 : vector<256x128xf32>
    %add3A_155 = arith.addf %add3A_147, %mul3A_154 : vector<256x128xf32>
    %slice3A_156 = vector.extract_strided_slice %get3A_4 {offsets = [0, 19, 0], sizes = [256, 1, 128], strides = [1, 1, 1]} : vector<256x32x128xf32> to vector<256x1x128xf32>
    %squeeze3A_157 = vector.shape_cast %slice3A_156 : vector<256x1x128xf32> to vector<256x128xf32>
    %slice3A_158 = vector.extract_strided_slice %get3A_9 {offsets = [0, 19], sizes = [256, 1], strides = [1, 1]} : vector<256x32xf32> to vector<256x1xf32>
    %squeeze3A_159 = vector.shape_cast %slice3A_158 : vector<256x1xf32> to vector<256xf32>
    %broadcast_in_dim3A_160 = vector.shape_cast %squeeze3A_159 : vector<256xf32> to vector<256x1xf32>
    %mul3A_161 = vector.broadcast %broadcast_in_dim3A_160 : vector<256x1xf32> to vector<256x128xf32>
    %mul3A_162 = arith.mulf %squeeze3A_157, %mul3A_161 : vector<256x128xf32>
    %add3A_163 = arith.addf %add3A_155, %mul3A_162 : vector<256x128xf32>
    %slice3A_164 = vector.extract_strided_slice %get3A_4 {offsets = [0, 20, 0], sizes = [256, 1, 128], strides = [1, 1, 1]} : vector<256x32x128xf32> to vector<256x1x128xf32>
    %squeeze3A_165 = vector.shape_cast %slice3A_164 : vector<256x1x128xf32> to vector<256x128xf32>
    %slice3A_166 = vector.extract_strided_slice %get3A_9 {offsets = [0, 20], sizes = [256, 1], strides = [1, 1]} : vector<256x32xf32> to vector<256x1xf32>
    %squeeze3A_167 = vector.shape_cast %slice3A_166 : vector<256x1xf32> to vector<256xf32>
    %broadcast_in_dim3A_168 = vector.shape_cast %squeeze3A_167 : vector<256xf32> to vector<256x1xf32>
    %mul3A_169 = vector.broadcast %broadcast_in_dim3A_168 : vector<256x1xf32> to vector<256x128xf32>
    %mul3A_170 = arith.mulf %squeeze3A_165, %mul3A_169 : vector<256x128xf32>
    %add3A_171 = arith.addf %add3A_163, %mul3A_170 : vector<256x128xf32>
    %slice3A_172 = vector.extract_strided_slice %get3A_4 {offsets = [0, 21, 0], sizes = [256, 1, 128], strides = [1, 1, 1]} : vector<256x32x128xf32> to vector<256x1x128xf32>
    %squeeze3A_173 = vector.shape_cast %slice3A_172 : vector<256x1x128xf32> to vector<256x128xf32>
    %slice3A_174 = vector.extract_strided_slice %get3A_9 {offsets = [0, 21], sizes = [256, 1], strides = [1, 1]} : vector<256x32xf32> to vector<256x1xf32>
    %squeeze3A_175 = vector.shape_cast %slice3A_174 : vector<256x1xf32> to vector<256xf32>
    %broadcast_in_dim3A_176 = vector.shape_cast %squeeze3A_175 : vector<256xf32> to vector<256x1xf32>
    %mul3A_177 = vector.broadcast %broadcast_in_dim3A_176 : vector<256x1xf32> to vector<256x128xf32>
    %mul3A_178 = arith.mulf %squeeze3A_173, %mul3A_177 : vector<256x128xf32>
    %add3A_179 = arith.addf %add3A_171, %mul3A_178 : vector<256x128xf32>
    %slice3A_180 = vector.extract_strided_slice %get3A_4 {offsets = [0, 22, 0], sizes = [256, 1, 128], strides = [1, 1, 1]} : vector<256x32x128xf32> to vector<256x1x128xf32>
    %squeeze3A_181 = vector.shape_cast %slice3A_180 : vector<256x1x128xf32> to vector<256x128xf32>
    %slice3A_182 = vector.extract_strided_slice %get3A_9 {offsets = [0, 22], sizes = [256, 1], strides = [1, 1]} : vector<256x32xf32> to vector<256x1xf32>
    %squeeze3A_183 = vector.shape_cast %slice3A_182 : vector<256x1xf32> to vector<256xf32>
    %broadcast_in_dim3A_184 = vector.shape_cast %squeeze3A_183 : vector<256xf32> to vector<256x1xf32>
    %mul3A_185 = vector.broadcast %broadcast_in_dim3A_184 : vector<256x1xf32> to vector<256x128xf32>
    %mul3A_186 = arith.mulf %squeeze3A_181, %mul3A_185 : vector<256x128xf32>
    %add3A_187 = arith.addf %add3A_179, %mul3A_186 : vector<256x128xf32>
    %slice3A_188 = vector.extract_strided_slice %get3A_4 {offsets = [0, 23, 0], sizes = [256, 1, 128], strides = [1, 1, 1]} : vector<256x32x128xf32> to vector<256x1x128xf32>
    %squeeze3A_189 = vector.shape_cast %slice3A_188 : vector<256x1x128xf32> to vector<256x128xf32>
    %slice3A_190 = vector.extract_strided_slice %get3A_9 {offsets = [0, 23], sizes = [256, 1], strides = [1, 1]} : vector<256x32xf32> to vector<256x1xf32>
    %squeeze3A_191 = vector.shape_cast %slice3A_190 : vector<256x1xf32> to vector<256xf32>
    %broadcast_in_dim3A_192 = vector.shape_cast %squeeze3A_191 : vector<256xf32> to vector<256x1xf32>
    %mul3A_193 = vector.broadcast %broadcast_in_dim3A_192 : vector<256x1xf32> to vector<256x128xf32>
    %mul3A_194 = arith.mulf %squeeze3A_189, %mul3A_193 : vector<256x128xf32>
    %add3A_195 = arith.addf %add3A_187, %mul3A_194 : vector<256x128xf32>
    %slice3A_196 = vector.extract_strided_slice %get3A_4 {offsets = [0, 24, 0], sizes = [256, 1, 128], strides = [1, 1, 1]} : vector<256x32x128xf32> to vector<256x1x128xf32>
    %squeeze3A_197 = vector.shape_cast %slice3A_196 : vector<256x1x128xf32> to vector<256x128xf32>
    %slice3A_198 = vector.extract_strided_slice %get3A_9 {offsets = [0, 24], sizes = [256, 1], strides = [1, 1]} : vector<256x32xf32> to vector<256x1xf32>
    %squeeze3A_199 = vector.shape_cast %slice3A_198 : vector<256x1xf32> to vector<256xf32>
    %broadcast_in_dim3A_200 = vector.shape_cast %squeeze3A_199 : vector<256xf32> to vector<256x1xf32>
    %mul3A_201 = vector.broadcast %broadcast_in_dim3A_200 : vector<256x1xf32> to vector<256x128xf32>
    %mul3A_202 = arith.mulf %squeeze3A_197, %mul3A_201 : vector<256x128xf32>
    %add3A_203 = arith.addf %add3A_195, %mul3A_202 : vector<256x128xf32>
    %slice3A_204 = vector.extract_strided_slice %get3A_4 {offsets = [0, 25, 0], sizes = [256, 1, 128], strides = [1, 1, 1]} : vector<256x32x128xf32> to vector<256x1x128xf32>
    %squeeze3A_205 = vector.shape_cast %slice3A_204 : vector<256x1x128xf32> to vector<256x128xf32>
    %slice3A_206 = vector.extract_strided_slice %get3A_9 {offsets = [0, 25], sizes = [256, 1], strides = [1, 1]} : vector<256x32xf32> to vector<256x1xf32>
    %squeeze3A_207 = vector.shape_cast %slice3A_206 : vector<256x1xf32> to vector<256xf32>
    %broadcast_in_dim3A_208 = vector.shape_cast %squeeze3A_207 : vector<256xf32> to vector<256x1xf32>
    %mul3A_209 = vector.broadcast %broadcast_in_dim3A_208 : vector<256x1xf32> to vector<256x128xf32>
    %mul3A_210 = arith.mulf %squeeze3A_205, %mul3A_209 : vector<256x128xf32>
    %add3A_211 = arith.addf %add3A_203, %mul3A_210 : vector<256x128xf32>
    %slice3A_212 = vector.extract_strided_slice %get3A_4 {offsets = [0, 26, 0], sizes = [256, 1, 128], strides = [1, 1, 1]} : vector<256x32x128xf32> to vector<256x1x128xf32>
    %squeeze3A_213 = vector.shape_cast %slice3A_212 : vector<256x1x128xf32> to vector<256x128xf32>
    %slice3A_214 = vector.extract_strided_slice %get3A_9 {offsets = [0, 26], sizes = [256, 1], strides = [1, 1]} : vector<256x32xf32> to vector<256x1xf32>
    %squeeze3A_215 = vector.shape_cast %slice3A_214 : vector<256x1xf32> to vector<256xf32>
    %broadcast_in_dim3A_216 = vector.shape_cast %squeeze3A_215 : vector<256xf32> to vector<256x1xf32>
    %mul3A_217 = vector.broadcast %broadcast_in_dim3A_216 : vector<256x1xf32> to vector<256x128xf32>
    %mul3A_218 = arith.mulf %squeeze3A_213, %mul3A_217 : vector<256x128xf32>
    %add3A_219 = arith.addf %add3A_211, %mul3A_218 : vector<256x128xf32>
    %slice3A_220 = vector.extract_strided_slice %get3A_4 {offsets = [0, 27, 0], sizes = [256, 1, 128], strides = [1, 1, 1]} : vector<256x32x128xf32> to vector<256x1x128xf32>
    %squeeze3A_221 = vector.shape_cast %slice3A_220 : vector<256x1x128xf32> to vector<256x128xf32>
    %slice3A_222 = vector.extract_strided_slice %get3A_9 {offsets = [0, 27], sizes = [256, 1], strides = [1, 1]} : vector<256x32xf32> to vector<256x1xf32>
    %squeeze3A_223 = vector.shape_cast %slice3A_222 : vector<256x1xf32> to vector<256xf32>
    %broadcast_in_dim3A_224 = vector.shape_cast %squeeze3A_223 : vector<256xf32> to vector<256x1xf32>
    %mul3A_225 = vector.broadcast %broadcast_in_dim3A_224 : vector<256x1xf32> to vector<256x128xf32>
    %mul3A_226 = arith.mulf %squeeze3A_221, %mul3A_225 : vector<256x128xf32>
    %add3A_227 = arith.addf %add3A_219, %mul3A_226 : vector<256x128xf32>
    %slice3A_228 = vector.extract_strided_slice %get3A_4 {offsets = [0, 28, 0], sizes = [256, 1, 128], strides = [1, 1, 1]} : vector<256x32x128xf32> to vector<256x1x128xf32>
    %squeeze3A_229 = vector.shape_cast %slice3A_228 : vector<256x1x128xf32> to vector<256x128xf32>
    %slice3A_230 = vector.extract_strided_slice %get3A_9 {offsets = [0, 28], sizes = [256, 1], strides = [1, 1]} : vector<256x32xf32> to vector<256x1xf32>
    %squeeze3A_231 = vector.shape_cast %slice3A_230 : vector<256x1xf32> to vector<256xf32>
    %broadcast_in_dim3A_232 = vector.shape_cast %squeeze3A_231 : vector<256xf32> to vector<256x1xf32>
    %mul3A_233 = vector.broadcast %broadcast_in_dim3A_232 : vector<256x1xf32> to vector<256x128xf32>
    %mul3A_234 = arith.mulf %squeeze3A_229, %mul3A_233 : vector<256x128xf32>
    %add3A_235 = arith.addf %add3A_227, %mul3A_234 : vector<256x128xf32>
    %slice3A_236 = vector.extract_strided_slice %get3A_4 {offsets = [0, 29, 0], sizes = [256, 1, 128], strides = [1, 1, 1]} : vector<256x32x128xf32> to vector<256x1x128xf32>
    %squeeze3A_237 = vector.shape_cast %slice3A_236 : vector<256x1x128xf32> to vector<256x128xf32>
    %slice3A_238 = vector.extract_strided_slice %get3A_9 {offsets = [0, 29], sizes = [256, 1], strides = [1, 1]} : vector<256x32xf32> to vector<256x1xf32>
    %squeeze3A_239 = vector.shape_cast %slice3A_238 : vector<256x1xf32> to vector<256xf32>
    %broadcast_in_dim3A_240 = vector.shape_cast %squeeze3A_239 : vector<256xf32> to vector<256x1xf32>
    %mul3A_241 = vector.broadcast %broadcast_in_dim3A_240 : vector<256x1xf32> to vector<256x128xf32>
    %mul3A_242 = arith.mulf %squeeze3A_237, %mul3A_241 : vector<256x128xf32>
    %add3A_243 = arith.addf %add3A_235, %mul3A_242 : vector<256x128xf32>
    %slice3A_244 = vector.extract_strided_slice %get3A_4 {offsets = [0, 30, 0], sizes = [256, 1, 128], strides = [1, 1, 1]} : vector<256x32x128xf32> to vector<256x1x128xf32>
    %squeeze3A_245 = vector.shape_cast %slice3A_244 : vector<256x1x128xf32> to vector<256x128xf32>
    %slice3A_246 = vector.extract_strided_slice %get3A_9 {offsets = [0, 30], sizes = [256, 1], strides = [1, 1]} : vector<256x32xf32> to vector<256x1xf32>
    %squeeze3A_247 = vector.shape_cast %slice3A_246 : vector<256x1xf32> to vector<256xf32>
    %broadcast_in_dim3A_248 = vector.shape_cast %squeeze3A_247 : vector<256xf32> to vector<256x1xf32>
    %mul3A_249 = vector.broadcast %broadcast_in_dim3A_248 : vector<256x1xf32> to vector<256x128xf32>
    %mul3A_250 = arith.mulf %squeeze3A_245, %mul3A_249 : vector<256x128xf32>
    %add3A_251 = arith.addf %add3A_243, %mul3A_250 : vector<256x128xf32>
    %slice3A_252 = vector.extract_strided_slice %get3A_4 {offsets = [0, 31, 0], sizes = [256, 1, 128], strides = [1, 1, 1]} : vector<256x32x128xf32> to vector<256x1x128xf32>
    %squeeze3A_253 = vector.shape_cast %slice3A_252 : vector<256x1x128xf32> to vector<256x128xf32>
    %slice3A_254 = vector.extract_strided_slice %get3A_9 {offsets = [0, 31], sizes = [256, 1], strides = [1, 1]} : vector<256x32xf32> to vector<256x1xf32>
    %squeeze3A_255 = vector.shape_cast %slice3A_254 : vector<256x1xf32> to vector<256xf32>
    %broadcast_in_dim3A_256 = vector.shape_cast %squeeze3A_255 : vector<256xf32> to vector<256x1xf32>
    %mul3A_257 = vector.broadcast %broadcast_in_dim3A_256 : vector<256x1xf32> to vector<256x128xf32>
    %mul3A_258 = arith.mulf %squeeze3A_253, %mul3A_257 : vector<256x128xf32>
    %add3A_259 = arith.addf %add3A_251, %mul3A_258 : vector<256x128xf32>
    %swap3A = arith.constant 0 : index
    %swap3A_260 = arith.constant 0 : index
    %swap3A_261 = vector.load %arg3[%swap3A, %swap3A_260] : memref<256x128xf32, #tpu.memory_space<vmem>>, vector<256x128xf32>
    tpu.vector_store %arg3[%swap3A, %swap3A_260], %add3A_259 {strides = array<i32>} : memref<256x128xf32, #tpu.memory_space<vmem>>, vector<256x128xf32>,
    return
  }
  func.func @transform_0(%arg0: i32) -> (i32, i32, i32, i32) {
    %c0_i32 = arith.constant 0 : i32
    %c0_i32_0 = arith.constant 0 : i32
    %c0_i32_1 = arith.constant 0 : i32
    %c0_i32_2 = arith.constant 0 : i32
    return %arg0, %c0_i32, %c0_i32_0, %c0_i32_1 : i32, i32, i32, i32
  }
  func.func @transform_1(%arg0: i32) -> (i32, i32, i32) {
    %c0_i32 = arith.constant 0 : i32
    %c0_i32_0 = arith.constant 0 : i32
    %c0_i32_1 = arith.constant 0 : i32
    return %arg0, %c0_i32, %c0_i32_0 : i32, i32, i32
  }
  func.func @transform_2(%arg0: i32) -> (i32, i32) {
    %c0_i32 = arith.constant 0 : i32
    %c0_i32_0 = arith.constant 0 : i32
    return %arg0, %c0_i32 : i32, i32
  }
}

</mosaic_0001>

<sc_bundles>
// kernel: kernel.12.cloned.1.call-start
scs
__scs_entry_jumppad:
0x0: {  	(pc) =	sbr.rel $0x88, $3  }
0x1: {  	(tag) =	ssettag $0x0;
	lr =	simm.s32 $0x1  }
0x2: {  	[smem:$0x3F9F] =	sst lr;
	_ =	strace $0xD0000000  }
0x3: {  	_ = 	snop  }
0x4: {  	_ = 	snop  }
0x5: {  	_ = 	snop  }
0x6: {  	_ = 	snop  }
0x7: {  	_ = 	snop  }
__scs_overlays_trampoline_lowered:
0x8: {  	[smem:$0x3FAE] =	sst s0  }
0x9: {  	[smem:$0x3FAF] =	sst s1  }
0xa: {  	[smem:$0x3FB0] =	sst s2  }
0xb: {  	[smem:$0x3FB1] =	sst s3  }
0xc: {  	[smem:$0x3FB2] =	sst s4  }
0xd: {  	[smem:$0x3FB3] =	sst s5  }
0xe: {  	[smem:$0x3FB4] =	sst s6  }
0xf: {  	[smem:$0x3FB5] =	sst s7  }
0x10: {  	[smem:$0x3FB6] =	sst s8  }
0x11: {  	[smem:$0x3FB7] =	sst s9;
	s0 =	simm.s32 @!p0 $0x0  }
0x12: {  	s1 =	sld [smem:$0x3F9D];
	s0 =	simm.s32 @p0 $0x1  }
0x13: {  	[smem:$0x3FB8] =	sst s0;
	s0 =	simm.s32 @!p1 $0x0  }
0x14: {  	s2 =	sld [smem:$0x3F9C];
	s0 =	simm.s32 @p1 $0x1  }
0x15: {  	[smem:$0x3FB9] =	sst s0;
	s0 =	simm.s32 @!p2 $0x0  }
0x16: {  	s3 =	sld [smem:$0x3FDB];
	s0 =	simm.s32 @p2 $0x1  }
0x17: {  	s4 =	simm.s32 $0x1BF5;
	[smem:$0x3FBB] =	sst s0  }
0x18: {  	s0 =	sld [smem:$0x3F9E];
	_ =	swait.ge [sflag:s4], $0x0  }
0x19: {  	s7 =	sld [smem:$0x3F9F]  }
0x1a: {  	s8 =	sadd.s32 $0xFFFFE003, lr  }
0x1b: {  	s9 =	sadd.s32 $0xFFFFFEF7, lr;
	s5 =	simm.s32 $0xFFFFFFFF;
	p2 =	slt.u32 s8, $0xFFFFF086  }
0x1c: {  	p1 =	slt.u32 s9, $0xF7A;
	s5 =	simm.s32 @!p2 $0x0  }
0x1d: {  	s5 =	simm.s32 @p1 $0x1;
	p0 =	seq.s32 s7, s2  }
0x1e: {  	s7 =	smul.u32 @!p0 $0xF7A, s2;
	p2 =	seq.s32 @!p0 s5, $0x0  }
0x1f: {  	s9 =	smul.u32 $0xF7A, s1;
	s8 =	simm.s32 @!p0 $0x1BF5;
	p2 =	por !p2, p0  }
0x20: {  	[sflag:s8] =	ssyncset.s32 @!p0 $0xFFFFF086;
	s6 =	sadd.s32 @!p0 s3, s7;
	s7 =	simm.s32 @!p0 $0x108  }
0x21: {  	s3 =	sadd.s32 s3, s9;
	s6 =	sadd.s32 @!p0 $0x88, s6;
	s7 =	simm.s32 @p2 $0x1082  }
0x22: {  	[simem:s7], [sflag:s8] =	dma.local @!p0 [hbm:s6], $0xF7A  }
0x23: {  	s9 =	sor.u32 $0xD0000000, s2;
	s6 =	simm.s32 $0x108;
	_ =	swait.ge @!p0 [sflag:s8], $0x0  }
0x24: {  	s3 =	sadd.s32 $0x88, s3;
	s6 =	simm.s32 @!p1 $0x1082;
	[sflag:s4] =	ssyncset.s32 $0xFFFFF086  }
0x25: {  	[simem:s6], [sflag:s4] =	dma.local [hbm:s3], $0xF7A  }
0x26: {  	[smem:$0x3F9F] =	sst s1;
	(tag) =	ssettag s2;
	_ =	strace s9  }
0x27: {  	s1 =	sld [smem:$0x3FAF]  }
0x28: {  	s2 =	sld [smem:$0x3FB0]  }
0x29: {  	s4 =	sld [smem:$0x3FB2]  }
0x2a: {  	p0 =	seq.s32 s5, $0x0;
	s5 =	sld [smem:$0x3FB3]  }
0x2b: {  	s6 =	sld [smem:$0x3FB4]  }
0x2c: {  	s7 =	sld [smem:$0x3FB5]  }
0x2d: {  	s3 =	simm.s32 $0x108;
	s8 =	sld [smem:$0x3FB6]  }
0x2e: {  	s3 =	simm.s32 @!p0 $0x1082;
	s9 =	sld [smem:$0x3FB7]  }
0x2f: {  	lr =	sadd.s32 s0, s3;
	s0 =	sld [smem:$0x3FAE]  }
0x30: {  	s3 =	sld [smem:$0x3FB1]  }
0x31: {  	[smem:$0x3FBA] =	sst s10  }
0x32: {  	s10 =	sld [smem:$0x3FB8];
	_ =	sdelay $0x3  }
0x33: {  	p0 =	seq.s32 s10, $0x1;
	s10 =	sld [smem:$0x3FBA];
	_ =	sdelay $0x3  }
0x34: {  	[smem:$0x3FBA] =	sst s10  }
0x35: {  	s10 =	sld [smem:$0x3FB9];
	_ =	sdelay $0x3  }
0x36: {  	p1 =	seq.s32 s10, $0x1;
	s10 =	sld [smem:$0x3FBA];
	_ =	sdelay $0x3  }
0x37: {  	[smem:$0x3FBA] =	sst s10  }
0x38: {  	s10 =	sld [smem:$0x3FBB]  }
0x39: {  	_ = 	snop;
	(pc) =	sbr.ind lr, $3  }
0x3a: {  	_ = 	snop  }
0x3b: {  	_ = 	snop  }
0x3c: {  	p2 =	seq.s32 s10, $0x1;
	s10 =	sld [smem:$0x3FBA]  }
0x3d: {  	_ =	shalt  }
0x3e: {  	_ =	shalt  }
0x3f: {  	_ =	shalt  }
0x40: {  	_ =	shalt  }
0x41: {  	_ =	shalt  }
0x42: {  	_ =	shalt  }
0x43: {  	_ =	shalt  }
0x44: {  	_ =	shalt  }
0x45: {  	_ =	shalt  }
0x46: {  	_ =	shalt  }
0x47: {  	_ =	shalt  }
0x48: {  	_ =	shalt  }
0x49: {  	_ =	shalt  }
0x4a: {  	_ =	shalt  }
0x4b: {  	_ =	shalt  }
0x4c: {  	_ =	shalt  }
0x4d: {  	_ =	shalt  }
0x4e: {  	_ =	shalt  }
0x4f: {  	_ =	shalt  }
0x50: {  	_ =	shalt  }
0x51: {  	_ =	shalt  }
0x52: {  	_ =	shalt  }
0x53: {  	_ =	shalt  }
0x54: {  	_ =	shalt  }
0x55: {  	_ =	shalt  }
0x56: {  	_ =	shalt  }
0x57: {  	_ =	shalt  }
0x58: {  	_ =	shalt  }
0x59: {  	_ =	shalt  }
0x5a: {  	_ =	shalt  }
0x5b: {  	_ =	shalt  }
0x5c: {  	_ =	shalt  }
0x5d: {  	_ =	shalt  }
0x5e: {  	_ =	shalt  }
0x5f: {  	_ =	shalt  }
0x60: {  	_ =	shalt  }
0x61: {  	_ =	shalt  }
0x62: {  	_ =	shalt  }
0x63: {  	_ =	shalt  }
0x64: {  	_ =	shalt  }
0x65: {  	_ =	shalt  }
0x66: {  	_ =	shalt  }
0x67: {  	_ =	shalt  }
0x68: {  	_ =	shalt  }
0x69: {  	_ =	shalt  }
0x6a: {  	_ =	shalt  }
0x6b: {  	_ =	shalt  }
0x6c: {  	_ =	shalt  }
0x6d: {  	_ =	shalt  }
0x6e: {  	_ =	shalt  }
0x6f: {  	_ =	shalt  }
0x70: {  	_ =	shalt  }
0x71: {  	_ =	shalt  }
0x72: {  	_ =	shalt  }
0x73: {  	_ =	shalt  }
0x74: {  	_ =	shalt  }
0x75: {  	_ =	shalt  }
0x76: {  	_ =	shalt  }
0x77: {  	_ =	shalt  }
0x78: {  	_ =	shalt  }
0x79: {  	_ =	shalt  }
0x7a: {  	_ =	shalt  }
0x7b: {  	_ =	shalt  }
0x7c: {  	_ =	shalt  }
0x7d: {  	_ =	shalt  }
0x7e: {  	_ =	shalt  }
0x7f: {  	_ =	shalt  }
0x80: {  	_ =	shalt  }
0x81: {  	_ =	shalt  }
0x82: {  	_ =	shalt  }
0x83: {  	_ =	shalt  }
0x84: {  	_ =	shalt  }
0x85: {  	_ =	shalt  }
0x86: {  	_ =	shalt  }
0x87: {  	_ =	shalt  }
.Lfunc_end0:
.L_simem_size_0:
called_computation.1_lowered:
.L_overlay_start_0:
0x88: {  	s2 =	sld [smem:$0x3FD9]  }
0x89: {  	s3 =	sld [smem:$0x3FFE];
	_ =	sdelay $0x1  }
0x8a: {  	s1 =	srdreg.scid  }
0x8b: {  	s0 =	sand.u32 $0x1, s1  }
0x8c: {  	s17 =	sshll.u32 s0, $0xA;
	s2 =	sadd.s32 s3, s2  }
0x8d: {  	s2 =	sadd.s32 s2, s17  }
0x8e: {  	[smem:$0x3FC6] =	sst s2  }
0x8f: {  	_ = 	snop  }
0x90: {  	s2 =	sld [smem:$0x3FC8]  }
0x91: {  	s18 =	sld [smem:$0x3FD0];
	(tm) =	ssettm $0x1  }
0x92: {  	s4 =	sld [smem:$0x3FFB];
	_ =	sdelay $0x3  }
0x93: {  	_ =	strace s4  }
0x94: {  	s4 =	sld [smem:$0x3FFC];
	_ =	sdelay $0x3  }
0x95: {  	_ =	strace s4  }
0x96: {  	s4 =	sld [smem:$0x3FFD];
	_ =	sdelay $0x3  }
0x97: {  	_ =	strace s4  }
0x98: {  	_ =	strace $0x8FFFFFFF  }
0x99: {  	s19 =	sld [smem:$0x3FDB];
	_ =	sdelay $0x1  }
0x9a: {  	s5 =	simm.s32 $_scs_section_size  }
0x9b: {  	s6 =	simm.s32 $_size__tile_overlayer_lowered;
	s7 =	simm.s32 $_tile_overlayer_lowered  }
0x9c: {  	s22 =	simm.s32 $0x1BFF;
	s21 =	sshll.u32 s7, $0x1;
	s4 =	sadd.s32 s5, s19  }
0x9d: {  	s8 =	simm.s32 $0x0;
	s20 =	sshll.u32 s6, $0x1;
	s6 =	sadd.s32 s21, s4  }
0x9e: {  	[timem:s8], [sflag:s22] =	dma.local [hbm:s6], s20  }
0x9f: {  	_ =	swait.ge [sflag:s22], s20  }
0xa0: {  	s5 =	ssub.s32 $0x0, s20;
	[sflag:s22] =	ssyncset.done $0x0  }
0xa1: {  	[sflag:s22] =	ssyncadd.s32 s5;
	_ =	sdelay $0x1  }
0xa2: {  	s23 =	simm.s32 $0x1B8B  }
0xa3: {  	_ =	swait.ge [sflag:s23], $0x1  }
0xa4: {  	[sflag:s23] =	ssyncset.done $0x0  }
0xa5: {  	s25 =	simm.s32 $0x1B8E;
	s24 =	sld [smem:$0x3FFE];
	[sflag:s23] =	ssyncadd.s32 $0xFFFFFFFF  }
0xa6: {  	s26 =	simm.s32 $execute0_lowered;
	[smem:$0x3FD2] =	sst s25  }
0xa7: {  	s6 =	sshll.u32 s26, $0x1;
	_ =	strace $0x80000049;
	[dreg:$0x1] =	wrdreg $0xFFFFFFFF  }
0xa8: {  	s28 =	simm.s32 $_size_execute0_lowered;
	s4 =	sadd.s32 s4, s6;
	[dreg:$0x0] =	wrdreg $0x0  }
0xa9: {  	s6 =	sshll.u32 s28, $0x1;
	[dreg:$0x2] =	wrdreg s4  }
0xaa: {  	[dreg:$0x3] =	wrdreg s6  }
0xab: {  	[dreg:$0x4] =	wrdreg $0xC0  }
0xac: {  	_ =	task [dreg:s8], $0x5FFFF  }
0xad: {  	[dreg:$0x1] =	wrdreg $0xFFFFFFFF  }
0xae: {  	[dreg:$0x0] =	wrdreg $0x60  }
0xaf: {  	[dreg:$0x2] =	wrdreg s2  }
0xb0: {  	[dreg:$0x3] =	wrdreg s18  }
0xb1: {  	[dreg:$0x4] =	wrdreg s24  }
0xb2: {  	[dreg:$0x5] =	wrdreg $0x9  }
0xb3: {  	_ =	task.clear_ibuf [dreg:s8], $0x6FFFF;
	_ =	strace $0x90000049  }
0xb4: {  	s29 =	simm.s32 $0x9;
	_ =	strace $0x8000004B  }
0xb5: {  	_ =	swait.ge [sflag:s29], $0x1  }
0xb6: {  	[sflag:s29] =	ssyncadd.s32 $0xFFFFFFFF  }
0xb7: {  	_ =	strace $0x9000004B  }
0xb8: {  	_ =	sfence  }
0xb9: {  	s30 =	sld [smem:$0x0];
	_ =	sdelay $0x2  }
0xba: {  	s31 =	sshll.u32 s1, $0xD;
	s1 =	sshrl.u32 s1, $0x2  }
0xbb: {  	s3 =	sand.u32 $0x4000, s31;
	s1 =	sadd.s32 s1, s30  }
0xbc: {  	s0 =	sor.u32 s3, s0;
	s1 =	sshll.u32 s1, $0x11  }
0xbd: {  	s0 =	sor.u32 s1, s0  }
0xbe: {  	s0 =	sadd.s32 $0x8F2B, s0  }
0xbf: {  	[sflag:s0] =	ssyncadd.remote.s32 $0x1  }
0xc0: {  	_ =	sfence.sel $0xFFFF  }
0xc1: {  	[dreg:$0x0] =	wrdreg $0xFFFFFFFF;
	(pc) =	sbr.abs _section_cstart, $3  }
0xc2: {  	[dreg:$0x1] =	wrdreg $0xFFFFFFFF  }
0xc3: {  	_ =	task.clear_ibuf [dreg:s8], $0x2FFFF;
	_ =	strace $0x9FFFFFFF  }
0xc4: {  	(tm) =	ssettm $0x7FFFFFFF  }
0xc5: {  	_ =	shalt  }
tec
execute0_lowered:
.L_overlay_start_1:
0x0: {  	(tag) =	ssettag $0x1  }
0x1: {  	s1 =	rddreg [dreg:$0x0]  }
0x2: {  	s6 =	rddreg [dreg:$0x1]  }
0x3: {  	s4 =	rddreg [dreg:$0x2]  }
0x4: {  	s0 =	rddreg [dreg:$0x3]  }
0x5: {  	s3 =	simm.s32 $0x0;
	s2 =	stileid.u32;
	s5 =	srdreg.scid  }
0x6: {  	[smem:$0x7FF] =	sst s3;
	s7 =	sshll.u32 s2, $0x11;
	s5 =	sand.u32 $0x1, s5  }
0x7: {  	s9 =	sshll.u32 s2, $0xD;
	_ =	strace $0x8000004A;
	s7 =	sadd.s32 s7, s4  }
0x8: {  	s29 =	ssub.s32 $0x2, s5;
	s10 =	sshll.u32 s5, $0xC;
	s5 =	sshll.u32 s5, $0x10  }
0x9: {  	s8 =	sshrl.u32 s29, $0x1;
	s30 =	sor.u32 s10, s9;
	s5 =	sadd.s32 s5, s7  }
0xa: {  	s7 =	simm.s32 $0x2;
	s9 =	simm.s32 $0x1;
	s10 =	simm.s32 $0x0  }
0xb: {  	s4 =	ssub.s32 s29, s8;
	s31 =	sshrl.u32 s30, $0x3;
	s5 =	sadd.s32 $0x1400, s5  }
0xc: {  	s8 =	simm.s32 $0x80;
	s4 =	smax.u32 s4, $0x1;
	s6 =	sadd.s32 s31, s6  }
.LBB2_1:
0xd: {  	s11 =	sadd.s32 $0x0, s6  }
0xe: {  	[tilespmem:s3], [sflag:$0x2] =	stream.linear.gather [hbm4b:s11+s3], $0x80, $0x38;
	[tilespmem:$0x4080] =	vst v63  }
0xf: {  	_ =	swait.ge [sflag:s7], $0x80  }
0x10: {  	[sflag:s7] =	ssyncset.done $0x0  }
0x11: {  	[sflag:s7] =	ssyncadd.s32 $0xFFFFFF80  }
0x12: {  	[tilespmem:s8], [sflag:$0x1] =	stream.indirect.gather [hbm4b:s1+s8], $0x80, s3, s8, $0xb8;
	[tilespmem:$0x4080] =	vst v63  }
0x13: {  	_ =	swait.ge [sflag:s9], $0x4000  }
0x14: {  	[sflag:s9] =	ssyncset.done $0x0  }
0x15: {  	[sflag:s9] =	ssyncadd.s32 $0xFFFFC000  }
0x16: {  	[hbm4b:s5+s3] =	stream.linear.scatter [tilespmem:s8], [sflag:$0x2], $0x4000, $0x38;
	[tilespmem:$0x4080] =	vst v63  }
0x17: {  	s12 =	simm.s32 $0x10;
	_ =	swait.ge [sflag:s7], $0x4000  }
0x18: {  	s13 =	simm.s32 $0x20;
	s11 =	sadd.s32 $0x800, s5;
	[sflag:s7] =	ssyncset.done $0x0  }
.LBB2_2:
0x19: {  	s14 =	sadd.s32 s12, s6  }
0x1a: {  	[sflag:s7] =	ssyncadd.s32 $0xFFFFC000;
	s12 =	smov.u32 s13;
	s15 =	sadd.s32 $0x10, s13  }
0x1b: {  	[tilespmem:s3], [sflag:$0x2] =	stream.linear.gather [hbm4b:s14+s3], $0x80, $0x38;
	[tilespmem:$0x4080] =	vst v63  }
0x1c: {  	p0 =	sne.s32 s13, $0x1F0;
	_ =	swait.ge [sflag:s7], $0x80  }
0x1d: {  	[sflag:s7] =	ssyncset.done $0x0  }
0x1e: {  	[sflag:s7] =	ssyncadd.s32 $0xFFFFFF80  }
0x1f: {  	[tilespmem:s8], [sflag:$0x1] =	stream.indirect.gather [hbm4b:s1+s8], $0x80, s3, s8, $0xb8;
	[tilespmem:$0x4080] =	vst v63  }
0x20: {  	_ =	swait.ge [sflag:s9], $0x4000  }
.Ltmp0:
0x21: {  	[sflag:s9] =	ssyncset.done $0x0;
	(pc) =	sbr.rel @p0 .LBB2_2-.Ltmp0, $4  }
0x22: {  	[sflag:s9] =	ssyncadd.s32 $0xFFFFC000  }
0x23: {  	[hbm4b:s11+s3] =	stream.linear.scatter [tilespmem:s8], [sflag:$0x2], $0x4000, $0x38;
	[tilespmem:$0x4080] =	vst v63  }
0x24: {  	_ =	swait.ge [sflag:s7], $0x4000  }
0x25: {  	s13 =	smov.u32 s15;
	s11 =	sadd.s32 $0x800, s11;
	[sflag:s7] =	ssyncset.done $0x0  }
0x26: {  	s12 =	sadd.s32 s12, s6;
	[sflag:s7] =	ssyncadd.s32 $0xFFFFC000  }
0x27: {  	[tilespmem:s3], [sflag:$0x2] =	stream.linear.gather [hbm4b:s12+s3], $0x80, $0x38;
	[tilespmem:$0x4080] =	vst v63  }
0x28: {  	_ =	swait.ge [sflag:s7], $0x80  }
0x29: {  	[sflag:s7] =	ssyncset.done $0x0  }
0x2a: {  	[sflag:s7] =	ssyncadd.s32 $0xFFFFFF80  }
0x2b: {  	[tilespmem:s8], [sflag:$0x1] =	stream.indirect.gather [hbm4b:s1+s8], $0x80, s3, s8, $0xb8;
	[tilespmem:$0x4080] =	vst v63  }
0x2c: {  	s10 =	sadd.s32 $0x1, s10;
	_ =	swait.ge [sflag:s9], $0x4000  }
0x2d: {  	p0 =	sne.s32 s10, s4;
	[sflag:s9] =	ssyncset.done $0x0  }
.Ltmp1:
0x2e: {  	[sflag:s9] =	ssyncadd.s32 $0xFFFFC000;
	(pc) =	sbr.rel @p0 .LBB2_1-.Ltmp1, $4  }
0x2f: {  	[hbm4b:s11+s3] =	stream.linear.scatter [tilespmem:s8], [sflag:$0x2], $0x4000, $0x38;
	[tilespmem:$0x4080] =	vst v63  }
0x30: {  	_ =	swait.ge [sflag:s7], $0x4000  }
0x31: {  	[sflag:s7] =	ssyncset.done $0x0  }
0x32: {  	[sflag:s7] =	ssyncadd.s32 $0xFFFFC000  }
0x33: {  	_ =	sfence.sel $0x180000  }
0x34: {  	[bflag:$0x0] =	sbarrier.arrive $0xFFFF  }
0x35: {  	p0 =	sne.s32 s2, $0x0;
	_ =	strace $0x9000004A  }
0x36: {  	s0 =	sadd.s32 @!p0 $0x100000, s0;
	[bflag:$0x2] =	sbarrier.arrive $0xFFFF  }
0x37: {  	[sflag:s0] =	ssyncadd.tile.s32 @!p0 $0x1;
	_ =	shalt  }
.Lfunc_end2:
_tile_overlayer_lowered:
.L_overlay_start_2:
0x38: {  	(tag) =	ssettag $0x2  }
0x39: {  	s0 =	rddreg [dreg:$0x0];
	s2 =	stileid.u32  }
0x3a: {  	s1 =	rddreg [dreg:$0x1];
	p0 =	sne.s32 s2, $0x0  }
0x3b: {  	s3 =	rddreg [dreg:$0x2];
	[bflag:$0x3] =	sbarrier.arrive $0xFFFF;
	s2 =	simm.s32 @!p0 $0x1C02  }
0x3c: {  	[timem:s3], [sflag:s2] =	dma.local @!p0 [hbm:s0], s1  }
0x3d: {  	s0 =	simm.s32 @!p0 $0x2  }
0x3e: {  	_ =	swait.ge @!p0 [sflag:s0], s1  }
0x3f: {  	s1 =	ssub.s32 @!p0 $0x0, s1;
	[sflag:s0] =	ssyncset.done @!p0 $0x0  }
0x40: {  	[sflag:s0] =	ssyncadd.s32 @!p0 s1  }
0x41: {  	[bflag:$0x3] =	sbarrier.arrive $0xFFFF  }
0x42: {  	_ =	shalt  }

// kernel: kernel.9.cloned.1.call-start
scs
__scs_entry_jumppad:
0x0: {  	(pc) =	sbr.rel $0x88, $3  }
0x1: {  	(tag) =	ssettag $0x0;
	lr =	simm.s32 $0x1  }
0x2: {  	[smem:$0x3F9F] =	sst lr;
	_ =	strace $0xD0000000  }
0x3: {  	_ = 	snop  }
0x4: {  	_ = 	snop  }
0x5: {  	_ = 	snop  }
0x6: {  	_ = 	snop  }
0x7: {  	_ = 	snop  }
__scs_overlays_trampoline_lowered:
0x8: {  	[smem:$0x3FAE] =	sst s0  }
0x9: {  	[smem:$0x3FAF] =	sst s1  }
0xa: {  	[smem:$0x3FB0] =	sst s2  }
0xb: {  	[smem:$0x3FB1] =	sst s3  }
0xc: {  	[smem:$0x3FB2] =	sst s4  }
0xd: {  	[smem:$0x3FB3] =	sst s5  }
0xe: {  	[smem:$0x3FB4] =	sst s6  }
0xf: {  	[smem:$0x3FB5] =	sst s7  }
0x10: {  	[smem:$0x3FB6] =	sst s8  }
0x11: {  	[smem:$0x3FB7] =	sst s9;
	s0 =	simm.s32 @!p0 $0x0  }
0x12: {  	s1 =	sld [smem:$0x3F9D];
	s0 =	simm.s32 @p0 $0x1  }
0x13: {  	[smem:$0x3FB8] =	sst s0;
	s0 =	simm.s32 @!p1 $0x0  }
0x14: {  	s2 =	sld [smem:$0x3F9C];
	s0 =	simm.s32 @p1 $0x1  }
0x15: {  	[smem:$0x3FB9] =	sst s0;
	s0 =	simm.s32 @!p2 $0x0  }
0x16: {  	s3 =	sld [smem:$0x3FDB];
	s0 =	simm.s32 @p2 $0x1  }
0x17: {  	s4 =	simm.s32 $0x1BF5;
	[smem:$0x3FBB] =	sst s0  }
0x18: {  	s0 =	sld [smem:$0x3F9E];
	_ =	swait.ge [sflag:s4], $0x0  }
0x19: {  	s7 =	sld [smem:$0x3F9F]  }
0x1a: {  	s8 =	sadd.s32 $0xFFFFE003, lr  }
0x1b: {  	s9 =	sadd.s32 $0xFFFFFEF7, lr;
	s5 =	simm.s32 $0xFFFFFFFF;
	p2 =	slt.u32 s8, $0xFFFFF086  }
0x1c: {  	p1 =	slt.u32 s9, $0xF7A;
	s5 =	simm.s32 @!p2 $0x0  }
0x1d: {  	s5 =	simm.s32 @p1 $0x1;
	p0 =	seq.s32 s7, s2  }
0x1e: {  	s7 =	smul.u32 @!p0 $0xF7A, s2;
	p2 =	seq.s32 @!p0 s5, $0x0  }
0x1f: {  	s9 =	smul.u32 $0xF7A, s1;
	s8 =	simm.s32 @!p0 $0x1BF5;
	p2 =	por !p2, p0  }
0x20: {  	[sflag:s8] =	ssyncset.s32 @!p0 $0xFFFFF086;
	s6 =	sadd.s32 @!p0 s3, s7;
	s7 =	simm.s32 @!p0 $0x108  }
0x21: {  	s3 =	sadd.s32 s3, s9;
	s6 =	sadd.s32 @!p0 $0x88, s6;
	s7 =	simm.s32 @p2 $0x1082  }
0x22: {  	[simem:s7], [sflag:s8] =	dma.local @!p0 [hbm:s6], $0xF7A  }
0x23: {  	s9 =	sor.u32 $0xD0000000, s2;
	s6 =	simm.s32 $0x108;
	_ =	swait.ge @!p0 [sflag:s8], $0x0  }
0x24: {  	s3 =	sadd.s32 $0x88, s3;
	s6 =	simm.s32 @!p1 $0x1082;
	[sflag:s4] =	ssyncset.s32 $0xFFFFF086  }
0x25: {  	[simem:s6], [sflag:s4] =	dma.local [hbm:s3], $0xF7A  }
0x26: {  	[smem:$0x3F9F] =	sst s1;
	(tag) =	ssettag s2;
	_ =	strace s9  }
0x27: {  	s1 =	sld [smem:$0x3FAF]  }
0x28: {  	s2 =	sld [smem:$0x3FB0]  }
0x29: {  	s4 =	sld [smem:$0x3FB2]  }
0x2a: {  	p0 =	seq.s32 s5, $0x0;
	s5 =	sld [smem:$0x3FB3]  }
0x2b: {  	s6 =	sld [smem:$0x3FB4]  }
0x2c: {  	s7 =	sld [smem:$0x3FB5]  }
0x2d: {  	s3 =	simm.s32 $0x108;
	s8 =	sld [smem:$0x3FB6]  }
0x2e: {  	s3 =	simm.s32 @!p0 $0x1082;
	s9 =	sld [smem:$0x3FB7]  }
0x2f: {  	lr =	sadd.s32 s0, s3;
	s0 =	sld [smem:$0x3FAE]  }
0x30: {  	s3 =	sld [smem:$0x3FB1]  }
0x31: {  	[smem:$0x3FBA] =	sst s10  }
0x32: {  	s10 =	sld [smem:$0x3FB8];
	_ =	sdelay $0x3  }
0x33: {  	p0 =	seq.s32 s10, $0x1;
	s10 =	sld [smem:$0x3FBA];
	_ =	sdelay $0x3  }
0x34: {  	[smem:$0x3FBA] =	sst s10  }
0x35: {  	s10 =	sld [smem:$0x3FB9];
	_ =	sdelay $0x3  }
0x36: {  	p1 =	seq.s32 s10, $0x1;
	s10 =	sld [smem:$0x3FBA];
	_ =	sdelay $0x3  }
0x37: {  	[smem:$0x3FBA] =	sst s10  }
0x38: {  	s10 =	sld [smem:$0x3FBB]  }
0x39: {  	_ = 	snop;
	(pc) =	sbr.ind lr, $3  }
0x3a: {  	_ = 	snop  }
0x3b: {  	_ = 	snop  }
0x3c: {  	p2 =	seq.s32 s10, $0x1;
	s10 =	sld [smem:$0x3FBA]  }
0x3d: {  	_ =	shalt  }
0x3e: {  	_ =	shalt  }
0x3f: {  	_ =	shalt  }
0x40: {  	_ =	shalt  }
0x41: {  	_ =	shalt  }
0x42: {  	_ =	shalt  }
0x43: {  	_ =	shalt  }
0x44: {  	_ =	shalt  }
0x45: {  	_ =	shalt  }
0x46: {  	_ =	shalt  }
0x47: {  	_ =	shalt  }
0x48: {  	_ =	shalt  }
0x49: {  	_ =	shalt  }
0x4a: {  	_ =	shalt  }
0x4b: {  	_ =	shalt  }
0x4c: {  	_ =	shalt  }
0x4d: {  	_ =	shalt  }
0x4e: {  	_ =	shalt  }
0x4f: {  	_ =	shalt  }
0x50: {  	_ =	shalt  }
0x51: {  	_ =	shalt  }
0x52: {  	_ =	shalt  }
0x53: {  	_ =	shalt  }
0x54: {  	_ =	shalt  }
0x55: {  	_ =	shalt  }
0x56: {  	_ =	shalt  }
0x57: {  	_ =	shalt  }
0x58: {  	_ =	shalt  }
0x59: {  	_ =	shalt  }
0x5a: {  	_ =	shalt  }
0x5b: {  	_ =	shalt  }
0x5c: {  	_ =	shalt  }
0x5d: {  	_ =	shalt  }
0x5e: {  	_ =	shalt  }
0x5f: {  	_ =	shalt  }
0x60: {  	_ =	shalt  }
0x61: {  	_ =	shalt  }
0x62: {  	_ =	shalt  }
0x63: {  	_ =	shalt  }
0x64: {  	_ =	shalt  }
0x65: {  	_ =	shalt  }
0x66: {  	_ =	shalt  }
0x67: {  	_ =	shalt  }
0x68: {  	_ =	shalt  }
0x69: {  	_ =	shalt  }
0x6a: {  	_ =	shalt  }
0x6b: {  	_ =	shalt  }
0x6c: {  	_ =	shalt  }
0x6d: {  	_ =	shalt  }
0x6e: {  	_ =	shalt  }
0x6f: {  	_ =	shalt  }
0x70: {  	_ =	shalt  }
0x71: {  	_ =	shalt  }
0x72: {  	_ =	shalt  }
0x73: {  	_ =	shalt  }
0x74: {  	_ =	shalt  }
0x75: {  	_ =	shalt  }
0x76: {  	_ =	shalt  }
0x77: {  	_ =	shalt  }
0x78: {  	_ =	shalt  }
0x79: {  	_ =	shalt  }
0x7a: {  	_ =	shalt  }
0x7b: {  	_ =	shalt  }
0x7c: {  	_ =	shalt  }
0x7d: {  	_ =	shalt  }
0x7e: {  	_ =	shalt  }
0x7f: {  	_ =	shalt  }
0x80: {  	_ =	shalt  }
0x81: {  	_ =	shalt  }
0x82: {  	_ =	shalt  }
0x83: {  	_ =	shalt  }
0x84: {  	_ =	shalt  }
0x85: {  	_ =	shalt  }
0x86: {  	_ =	shalt  }
0x87: {  	_ =	shalt  }
.Lfunc_end0:
.L_simem_size_0:
called_computation_lowered:
.L_overlay_start_0:
0x88: {  	s2 =	sld [smem:$0x3FD9]  }
0x89: {  	s3 =	sld [smem:$0x3FFE];
	_ =	sdelay $0x1  }
0x8a: {  	s1 =	srdreg.scid  }
0x8b: {  	s0 =	sand.u32 $0x1, s1  }
0x8c: {  	s16 =	sshll.u32 s0, $0xA;
	s2 =	sadd.s32 s3, s2  }
0x8d: {  	s2 =	sadd.s32 s2, s16  }
0x8e: {  	[smem:$0x3FC6] =	sst s2  }
0x8f: {  	_ = 	snop  }
0x90: {  	(tm) =	ssettm $0x1  }
0x91: {  	s17 =	sld [smem:$0x3FFB];
	_ =	sdelay $0x3  }
0x92: {  	_ =	strace s17  }
0x93: {  	s2 =	sld [smem:$0x3FFC];
	_ =	sdelay $0x3  }
0x94: {  	_ =	strace s2  }
0x95: {  	s2 =	sld [smem:$0x3FFD];
	_ =	sdelay $0x3  }
0x96: {  	_ =	strace s2  }
0x97: {  	_ =	strace $0x8FFFFFFF  }
0x98: {  	s18 =	sld [smem:$0x3FDB];
	_ =	sdelay $0x1  }
0x99: {  	s19 =	simm.s32 $_scs_section_size  }
0x9a: {  	s4 =	simm.s32 $_size__tile_overlayer_lowered;
	s5 =	simm.s32 $_tile_overlayer_lowered  }
0x9b: {  	s22 =	simm.s32 $0x1BFF;
	s21 =	sshll.u32 s5, $0x1;
	s2 =	sadd.s32 s19, s18  }
0x9c: {  	s6 =	simm.s32 $0x0;
	s20 =	sshll.u32 s4, $0x1;
	s4 =	sadd.s32 s21, s2  }
0x9d: {  	[timem:s6], [sflag:s22] =	dma.local [hbm:s4], s20  }
0x9e: {  	_ =	swait.ge [sflag:s22], s20  }
0x9f: {  	s3 =	ssub.s32 $0x0, s20;
	[sflag:s22] =	ssyncset.done $0x0  }
0xa0: {  	[sflag:s22] =	ssyncadd.s32 s3;
	_ =	sdelay $0x1  }
0xa1: {  	s23 =	simm.s32 $0x1B8B  }
0xa2: {  	_ =	swait.ge [sflag:s23], $0x1  }
0xa3: {  	[sflag:s23] =	ssyncset.done $0x0  }
0xa4: {  	s25 =	simm.s32 $0x1B8E;
	s24 =	sld [smem:$0x3FFE];
	[sflag:s23] =	ssyncadd.s32 $0xFFFFFFFF  }
0xa5: {  	s26 =	simm.s32 $execute0_lowered;
	[smem:$0x3FD2] =	sst s25  }
0xa6: {  	s4 =	sshll.u32 s26, $0x1;
	_ =	strace $0x80000046;
	[dreg:$0x1] =	wrdreg $0xFFFFFFFF  }
0xa7: {  	s28 =	simm.s32 $_size_execute0_lowered;
	s2 =	sadd.s32 s2, s4;
	[dreg:$0x0] =	wrdreg $0x0  }
0xa8: {  	s4 =	sshll.u32 s28, $0x1;
	[dreg:$0x2] =	wrdreg s2  }
0xa9: {  	[dreg:$0x3] =	wrdreg s4  }
0xaa: {  	[dreg:$0x4] =	wrdreg $0xC0  }
0xab: {  	_ =	task [dreg:s6], $0x5FFFF  }
0xac: {  	[dreg:$0x1] =	wrdreg $0xFFFFFFFF  }
0xad: {  	[dreg:$0x0] =	wrdreg $0x60  }
0xae: {  	[dreg:$0x2] =	wrdreg s24  }
0xaf: {  	[dreg:$0x3] =	wrdreg $0x9  }
0xb0: {  	_ =	task.clear_ibuf [dreg:s6], $0x4FFFF;
	_ =	strace $0x90000046  }
0xb1: {  	s29 =	simm.s32 $0x9;
	_ =	strace $0x80000048  }
0xb2: {  	_ =	swait.ge [sflag:s29], $0x1  }
0xb3: {  	[sflag:s29] =	ssyncadd.s32 $0xFFFFFFFF  }
0xb4: {  	_ =	strace $0x90000048  }
0xb5: {  	_ =	sfence  }
0xb6: {  	s30 =	sld [smem:$0x0];
	_ =	sdelay $0x2  }
0xb7: {  	s31 =	sshll.u32 s1, $0xD;
	s1 =	sshrl.u32 s1, $0x2  }
0xb8: {  	s3 =	sand.u32 $0x4000, s31;
	s1 =	sadd.s32 s1, s30  }
0xb9: {  	s0 =	sor.u32 s3, s0;
	s1 =	sshll.u32 s1, $0x11  }
0xba: {  	s0 =	sor.u32 s1, s0  }
0xbb: {  	s0 =	sadd.s32 $0x8F2B, s0  }
0xbc: {  	[sflag:s0] =	ssyncadd.remote.s32 $0x1  }
0xbd: {  	_ =	sfence.sel $0xFFFF  }
0xbe: {  	[dreg:$0x0] =	wrdreg $0xFFFFFFFF;
	(pc) =	sbr.abs _section_cstart, $3  }
0xbf: {  	[dreg:$0x1] =	wrdreg $0xFFFFFFFF  }
0xc0: {  	_ =	task.clear_ibuf [dreg:s6], $0x2FFFF;
	_ =	strace $0x9FFFFFFF  }
0xc1: {  	(tm) =	ssettm $0x7FFFFFFF  }
tec
execute0_lowered:
.L_overlay_start_1:
0x0: {  	(tag) =	ssettag $0x1  }
0x1: {  	s4 =	rddreg [dreg:$0x0]  }
0x2: {  	s0 =	rddreg [dreg:$0x1];
	s2 =	simm.s32 $0x0;
	s3 =	srdreg.scid  }
0x3: {  	s1 =	stileid.u32;
	s10 =	simm.s32 $0x0;
	[smem:$0x7FF] =	sst s2  }
0x4: {  	s5 =	sand.u32 $0x1, s3;
	s6 =	sshll.u32 s1, $0xD;
	s3 =	sadd.s32 $0x311400, s4  }
0x5: {  	s8 =	sshll.u32 s1, $0x11;
	_ =	strace $0x80000047;
	s7 =	sshll.u32 s5, $0xC  }
0x6: {  	s31 =	ssub.s32 $0x2, s5;
	s8 =	sadd.s32 s8, s4;
	s5 =	sshll.u32 s5, $0x10  }
0x7: {  	s6 =	sor.u32 s7, s6;
	s9 =	sshrl.u32 s31, $0x1;
	s5 =	sadd.s32 s5, s8  }
0x8: {  	s8 =	simm.s32 $0x80;
	s6 =	sshrl.u32 s6, $0x3;
	s7 =	ssub.s32 s31, s9  }
0x9: {  	s5 =	sadd.s32 $0x5400, s5;
	s9 =	simm.s32 $0x1;
	s6 =	sadd.s32 s6, s4  }
0xa: {  	s4 =	smax.u32 s7, $0x1;
	s7 =	simm.s32 $0x2;
	s6 =	sadd.s32 $0x1400, s6  }
.LBB2_1:
0xb: {  	s11 =	sadd.s32 $0x0, s6  }
0xc: {  	[tilespmem:s2], [sflag:$0x2] =	stream.linear.gather [hbm4b:s11+s2], $0x80, $0x38;
	[tilespmem:$0x4080] =	vst v63  }
0xd: {  	_ =	swait.ge [sflag:s7], $0x80  }
0xe: {  	[sflag:s7] =	ssyncset.done $0x0  }
0xf: {  	[sflag:s7] =	ssyncadd.s32 $0xFFFFFF80  }
0x10: {  	[tilespmem:s8], [sflag:$0x1] =	stream.indirect.gather [hbm4b:s3+s8], $0x80, s2, s8, $0xb8;
	[tilespmem:$0x4080] =	vst v63  }
0x11: {  	_ =	swait.ge [sflag:s9], $0x4000  }
0x12: {  	[sflag:s9] =	ssyncset.done $0x0  }
0x13: {  	[sflag:s9] =	ssyncadd.s32 $0xFFFFC000  }
0x14: {  	[hbm4b:s5+s2] =	stream.linear.scatter [tilespmem:s8], [sflag:$0x2], $0x4000, $0x38;
	[tilespmem:$0x4080] =	vst v63  }
0x15: {  	s12 =	simm.s32 $0x10;
	_ =	swait.ge [sflag:s7], $0x4000  }
0x16: {  	s13 =	simm.s32 $0x20;
	s11 =	sadd.s32 $0x800, s5;
	[sflag:s7] =	ssyncset.done $0x0  }
.LBB2_2:
0x17: {  	s14 =	sadd.s32 s12, s6  }
0x18: {  	[sflag:s7] =	ssyncadd.s32 $0xFFFFC000;
	s12 =	smov.u32 s13;
	s15 =	sadd.s32 $0x10, s13  }
0x19: {  	[tilespmem:s2], [sflag:$0x2] =	stream.linear.gather [hbm4b:s14+s2], $0x80, $0x38;
	[tilespmem:$0x4080] =	vst v63  }
0x1a: {  	p0 =	sne.s32 s13, $0x1F0;
	_ =	swait.ge [sflag:s7], $0x80  }
0x1b: {  	[sflag:s7] =	ssyncset.done $0x0  }
0x1c: {  	[sflag:s7] =	ssyncadd.s32 $0xFFFFFF80  }
0x1d: {  	[tilespmem:s8], [sflag:$0x1] =	stream.indirect.gather [hbm4b:s3+s8], $0x80, s2, s8, $0xb8;
	[tilespmem:$0x4080] =	vst v63  }
0x1e: {  	_ =	swait.ge [sflag:s9], $0x4000  }
.Ltmp0:
0x1f: {  	[sflag:s9] =	ssyncset.done $0x0;
	(pc) =	sbr.rel @p0 .LBB2_2-.Ltmp0, $4  }
0x20: {  	[sflag:s9] =	ssyncadd.s32 $0xFFFFC000  }
0x21: {  	[hbm4b:s11+s2] =	stream.linear.scatter [tilespmem:s8], [sflag:$0x2], $0x4000, $0x38;
	[tilespmem:$0x4080] =	vst v63  }
0x22: {  	_ =	swait.ge [sflag:s7], $0x4000  }
0x23: {  	s13 =	smov.u32 s15;
	s11 =	sadd.s32 $0x800, s11;
	[sflag:s7] =	ssyncset.done $0x0  }
0x24: {  	s12 =	sadd.s32 s12, s6;
	[sflag:s7] =	ssyncadd.s32 $0xFFFFC000  }
0x25: {  	[tilespmem:s2], [sflag:$0x2] =	stream.linear.gather [hbm4b:s12+s2], $0x80, $0x38;
	[tilespmem:$0x4080] =	vst v63  }
0x26: {  	_ =	swait.ge [sflag:s7], $0x80  }
0x27: {  	[sflag:s7] =	ssyncset.done $0x0  }
0x28: {  	[sflag:s7] =	ssyncadd.s32 $0xFFFFFF80  }
0x29: {  	[tilespmem:s8], [sflag:$0x1] =	stream.indirect.gather [hbm4b:s3+s8], $0x80, s2, s8, $0xb8;
	[tilespmem:$0x4080] =	vst v63  }
0x2a: {  	s10 =	sadd.s32 $0x1, s10;
	_ =	swait.ge [sflag:s9], $0x4000  }
0x2b: {  	p0 =	sne.s32 s10, s4;
	[sflag:s9] =	ssyncset.done $0x0  }
.Ltmp1:
0x2c: {  	[sflag:s9] =	ssyncadd.s32 $0xFFFFC000;
	(pc) =	sbr.rel @p0 .LBB2_1-.Ltmp1, $4  }
0x2d: {  	[hbm4b:s11+s2] =	stream.linear.scatter [tilespmem:s8], [sflag:$0x2], $0x4000, $0x38;
	[tilespmem:$0x4080] =	vst v63  }
0x2e: {  	_ =	swait.ge [sflag:s7], $0x4000  }
0x2f: {  	[sflag:s7] =	ssyncset.done $0x0  }
0x30: {  	[sflag:s7] =	ssyncadd.s32 $0xFFFFC000  }
0x31: {  	_ =	sfence.sel $0x180000  }
0x32: {  	[bflag:$0x0] =	sbarrier.arrive $0xFFFF  }
0x33: {  	p0 =	sne.s32 s1, $0x0;
	_ =	strace $0x90000047  }
0x34: {  	s0 =	sadd.s32 @!p0 $0x100000, s0;
	[bflag:$0x2] =	sbarrier.arrive $0xFFFF  }
0x35: {  	[sflag:s0] =	ssyncadd.tile.s32 @!p0 $0x1;
	_ =	shalt  }
.Lfunc_end2:
_tile_overlayer_lowered:
.L_overlay_start_2:
0x36: {  	(tag) =	ssettag $0x2  }
0x37: {  	s0 =	rddreg [dreg:$0x0];
	s2 =	stileid.u32  }
0x38: {  	s1 =	rddreg [dreg:$0x1];
	p0 =	sne.s32 s2, $0x0  }
0x39: {  	s3 =	rddreg [dreg:$0x2];
	[bflag:$0x3] =	sbarrier.arrive $0xFFFF;
	s2 =	simm.s32 @!p0 $0x1C02  }
0x3a: {  	[timem:s3], [sflag:s2] =	dma.local @!p0 [hbm:s0], s1  }
0x3b: {  	s0 =	simm.s32 @!p0 $0x2  }
0x3c: {  	_ =	swait.ge @!p0 [sflag:s0], s1  }
0x3d: {  	s1 =	ssub.s32 @!p0 $0x0, s1;
	[sflag:s0] =	ssyncset.done @!p0 $0x0  }
0x3e: {  	[sflag:s0] =	ssyncadd.s32 @!p0 s1  }
0x3f: {  	[bflag:$0x3] =	sbarrier.arrive $0xFFFF  }
0x40: {  	_ =	shalt  }

</sc_bundles>
